<compile_context>
chip_gen: v7x
topology: tpu7x:2x2x1
jax: 0.10.2.dev20260603
libtpu: 0.0.44.dev20260713+nightly
codegen_flags: <defaults>
</compile_context>

<pallas_src>
import functools

import jax
import jax.numpy as jnp
from jax import lax
from jax.experimental import pallas as pl
from jax.experimental.pallas import tpu as pltpu
from jax.experimental.pallas import tpu_sc as plsc

_N = 10000
_E = 320000
_D = 128
_H = 2 * _D
_EPS = 1e-7

_NC = 2
_NS = 16
_NW = _NC * _NS
_EPW = _E // _NW
_C = 128
_NCH = (_EPW + _C - 1) // _C
_EPWP = _NCH * _C
_NPAD = 10240
_TRASH = _N
_RPS = _NPAD // _NS

_sc_mesh = plsc.VectorSubcoreMesh(core_axis_name="c", subcore_axis_name="s")


def _zero_rows(rows_v, nrows):
    def zrow(i, carry):
        def zlane(j, carry2):
            rows_v[i, pl.ds(j * 16, 16)] = jnp.zeros((16,), jnp.float32)
            return carry2
        return lax.fori_loop(0, _D // 16, zlane, carry)
    lax.fori_loop(0, nrows, zrow, 0)


def _fill_ones(rows_v, nrows):
    def frow(i, carry):
        def flane(j, carry2):
            rows_v[i, pl.ds(j * 16, 16)] = jnp.ones((16,), jnp.float32)
            return carry2
        return lax.fori_loop(0, _D // 16, flane, carry)
    lax.fori_loop(0, nrows, frow, 0)


@functools.partial(
    pl.kernel,
    mesh=_sc_mesh,
    out_type=jax.ShapeDtypeStruct((_NC, _NPAD, _D), jnp.float32),
    scratch_types=[
        pltpu.VMEM((_NCH, _C), jnp.int32),
        pltpu.VMEM((_NCH, _C), jnp.int32),
        pltpu.VMEM((_C, _D), jnp.float32),
        pltpu.VMEM_SHARED((_NPAD, _D), jnp.float32),
        pltpu.SemaphoreType.DMA,
    ],
)
def _sc_seg_sum(y_hbm, src_hbm, dst_hbm, out_hbm, src_v, dst_v, rows_v, acc, sem):
    c = lax.axis_index("c")
    s = lax.axis_index("s")
    wid = c * _NS + s
    pltpu.sync_copy(src_hbm.at[wid], src_v)
    pltpu.sync_copy(dst_hbm.at[wid], dst_v)

    _zero_rows(rows_v, _C)
    for k in range(_RPS // _C):
        pltpu.sync_copy(rows_v, acc.at[pl.ds(s * _RPS + k * _C, _C)])
    plsc.subcore_barrier()

    def body(j, carry):
        pltpu.async_copy(y_hbm.at[src_v.at[j]], rows_v, sem).wait()
        pltpu.sync_copy(rows_v, acc.at[dst_v.at[j]], add=True)
        return carry
    lax.fori_loop(0, _NCH, body, 0)
    plsc.subcore_barrier()

    pltpu.sync_copy(
        acc.at[pl.ds(s * _RPS, _RPS)],
        out_hbm.at[c, pl.ds(s * _RPS, _RPS), :],
    )


@functools.partial(
    pl.kernel,
    mesh=_sc_mesh,
    out_type=jax.ShapeDtypeStruct((_NC, _NPAD, _D), jnp.float32),
    scratch_types=[
        pltpu.VMEM((_NCH, _C), jnp.int32),
        pltpu.VMEM((_C, _D), jnp.float32),
        pltpu.VMEM_SHARED((_NPAD, _D), jnp.float32),
    ],
)
def _sc_degree(dst_hbm, out_hbm, dst_v, rows_v, acc):
    c = lax.axis_index("c")
    s = lax.axis_index("s")
    wid = c * _NS + s
    pltpu.sync_copy(dst_hbm.at[wid], dst_v)

    _zero_rows(rows_v, _C)
    for k in range(_RPS // _C):
        pltpu.sync_copy(rows_v, acc.at[pl.ds(s * _RPS + k * _C, _C)])
    plsc.subcore_barrier()

    _fill_ones(rows_v, _C)

    def body(j, carry):
        pltpu.sync_copy(rows_v, acc.at[dst_v.at[j]], add=True)
        return carry
    lax.fori_loop(0, _NCH, body, 0)
    plsc.subcore_barrier()

    pltpu.sync_copy(
        acc.at[pl.ds(s * _RPS, _RPS)],
        out_hbm.at[c, pl.ds(s * _RPS, _RPS), :],
    )


_R = 1000


def _tc_prep(x):
    def body(x_ref, y_ref):
        y_ref[...] = jnp.maximum(x_ref[...], 0.0)
    return pl.pallas_call(
        body,
        grid=(_N // _R,),
        in_specs=[pl.BlockSpec((_R, _D), lambda i: (i, 0))],
        out_specs=pl.BlockSpec((_R, _D), lambda i: (i, 0)),
        out_shape=jax.ShapeDtypeStruct((_N, _D), jnp.float32),
    )(x)


def _mlp(out, W1_ref, b1_ref, g_ref, be_ref, W2_ref, b2_ref):
    h = jnp.dot(out, W1_ref[...], preferred_element_type=jnp.float32) + b1_ref[...]
    mu = jnp.mean(h, axis=1, keepdims=True)
    var = jnp.mean((h - mu) ** 2, axis=1, keepdims=True)
    hn = (h - mu) * lax.rsqrt(var + 1e-5) * g_ref[...] + be_ref[...]
    hr = jnp.maximum(hn, 0.0)
    return jnp.dot(hr, W2_ref[...], preferred_element_type=jnp.float32) + b2_ref[...]


def _tc_layer(sp, cp, h_prev, W1, b1, g, be, W2, b2, final):
    def body(s0_ref, s1_ref, c0_ref, c1_ref, hp_ref, W1_ref, b1_ref, g_ref,
             be_ref, W2_ref, b2_ref, *outs):
        sblk = s0_ref[0] + s1_ref[0]
        cnt = c0_ref[0] + c1_ref[0]
        inv = 1.0 / jnp.maximum(cnt, 1.0)
        agg = (sblk + _EPS * cnt) * inv
        out = agg + hp_ref[...]
        o = _mlp(out, W1_ref, b1_ref, g_ref, be_ref, W2_ref, b2_ref)
        if final:
            outs[0][...] = o
        else:
            hh = jnp.where(o > 0.0, o, jnp.exp(o) - 1.0)
            outs[0][...] = hh
            outs[1][...] = jnp.maximum(hh, 0.0)

    n_out = 1 if final else 2
    full = lambda r, c: pl.BlockSpec((r, c), lambda i: (0, 0))
    return pl.pallas_call(
        body,
        grid=(_N // _R,),
        in_specs=[
            pl.BlockSpec((1, _R, _D), lambda i: (0, i, 0)),
            pl.BlockSpec((1, _R, _D), lambda i: (1, i, 0)),
            pl.BlockSpec((1, _R, _D), lambda i: (0, i, 0)),
            pl.BlockSpec((1, _R, _D), lambda i: (1, i, 0)),
            pl.BlockSpec((_R, _D), lambda i: (i, 0)),
            full(_D, _H), full(1, _H), full(1, _H), full(1, _H),
            full(_H, _D), full(1, _D),
        ],
        out_specs=[pl.BlockSpec((_R, _D), lambda i: (i, 0))] * n_out,
        out_shape=[jax.ShapeDtypeStruct((_N, _D), jnp.float32)] * n_out,
    )(sp, sp, cp, cp, h_prev, W1, b1.reshape(1, -1), g.reshape(1, -1),
      be.reshape(1, -1), W2, b2.reshape(1, -1))


def kernel(x, edge_index,
           W1_0, b1_0, g_0, beta_0, W2_0, b2_0,
           W1_1, b1_1, g_1, beta_1, W2_1, b2_1,
           W1_2, b1_2, g_2, beta_2, W2_2, b2_2):
    src = edge_index[0].reshape(_NW, _EPW)
    dst = edge_index[1].reshape(_NW, _EPW)
    pad = _EPWP - _EPW
    srcp = jnp.pad(src, ((0, 0), (0, pad))).reshape(_NW, _NCH, _C)
    dstp = jnp.pad(dst, ((0, 0), (0, pad)),
                   constant_values=_TRASH).reshape(_NW, _NCH, _C)

    cp = _sc_degree(dstp)
    y0 = _tc_prep(x)
    sp0 = _sc_seg_sum(y0, srcp, dstp)
    h1, y1 = _tc_layer(sp0, cp, x, W1_0, b1_0, g_0, beta_0, W2_0, b2_0,
                       final=False)
    sp1 = _sc_seg_sum(y1, srcp, dstp)
    h2, y2 = _tc_layer(sp1, cp, h1, W1_1, b1_1, g_1, beta_1, W2_1, b2_1,
                       final=False)
    sp2 = _sc_seg_sum(y2, srcp, dstp)
    (out,) = _tc_layer(sp2, cp, h2, W1_2, b1_2, g_2, beta_2, W2_2, b2_2,
                       final=True)
    return out

# --- scband reference (transcript-rebuilt; emitter-appended) ---
"""Pipeline reference for scband-gen-90572270338440 (READ-ONLY COPY).

The authoritative reference and input builder live on the scoring server;
editing this copy changes nothing except your own understanding.
"""

import jax, jax.numpy as jnp
import numpy as np

N = 10000
E = 320000
D = 128
H = 2 * D  # GENConv MLP expansion factor 2
EPS = 1e-7  # GENConv message eps


def _layer_norm(h, g, b):
    mu = jnp.mean(h, axis=-1, keepdims=True)
    var = jnp.var(h, axis=-1, keepdims=True)
    return (h - mu) / jnp.sqrt(var + 1e-5) * g + b


def _gen_conv(x, src, dst, W1, b1, g, beta, W2, b2):
    # message: relu(x_j) + eps
    msg = jax.nn.relu(jnp.take(x, src, axis=0)) + EPS
    # aggr='mean': scatter-mean over destination nodes (count clamped to >=1)
    s = jax.ops.segment_sum(msg, dst, num_segments=N)
    cnt = jax.ops.segment_sum(jnp.ones((E,), x.dtype), dst, num_segments=N)
    agg = s / jnp.clip(cnt, 1.0)[:, None]
    # residual: out = aggregated + x_dst
    out = agg + x
    # MLP: Linear -> LayerNorm -> ReLU -> Linear (num_layers=2, norm='layer')
    h = out @ W1 + b1
    h = jax.nn.relu(_layer_norm(h, g, beta))
    return h @ W2 + b2


def setup_inputs(seed: int = 0) -> dict:
    key = jax.random.key(seed)
    ks = jax.random.split(key, 16)
    inp = {}
    inp["x"] = jax.random.normal(ks[0], (N, D), dtype=jnp.float32)
    inp["edge_index"] = jax.random.randint(ks[1], (2, E), 0, N, dtype=jnp.int32)
    k = 2
    for i in range(3):  # 2 hidden GENConv layers + output GENConv layer
        inp[f"W1_{i}"] = jax.random.normal(ks[k], (D, H), dtype=jnp.float32) / np.sqrt(D); k += 1
        inp[f"b1_{i}"] = jnp.zeros((H,), jnp.float32)
        inp[f"g_{i}"] = jnp.ones((H,), jnp.float32)
        inp[f"beta_{i}"] = jnp.zeros((H,), jnp.float32)
        inp[f"W2_{i}"] = jax.random.normal(ks[k], (H, D), dtype=jnp.float32) / np.sqrt(H); k += 1
        inp[f"b2_{i}"] = jnp.zeros((D,), jnp.float32)
    return inp


def reference(x, edge_index,
              W1_0, b1_0, g_0, beta_0, W2_0, b2_0,
              W1_1, b1_1, g_1, beta_1, W2_1, b2_1,
              W1_2, b1_2, g_2, beta_2, W2_2, b2_2):
    src, dst = edge_index[0], edge_index[1]
    h = _gen_conv(x, src, dst, W1_0, b1_0, g_0, beta_0, W2_0, b2_0)
    h = jax.nn.elu(h)
    h = _gen_conv(h, src, dst, W1_1, b1_1, g_1, beta_1, W2_1, b2_1)
    h = jax.nn.elu(h)
    out = _gen_conv(h, src, dst, W1_2, b1_2, g_2, beta_2, W2_2, b2_2)
    return out

if __name__ == "__main__":
    import jax
    _d = setup_inputs()
    print(jax.jit(kernel)(*tuple(_d.values())))

</pallas_src>

<mosaic_0001>
#map = affine_map<(d0, d1) -> (0, 0)>
#map1 = affine_map<(d0, d1) -> (0, 0, 0)>
module attributes {stable_mosaic.version = 14 : i64} {
  func.func @_sc_seg_sum(%arg0: i32, %arg1: i32, %arg2: memref<10000x128xf32, #tpu.memory_space<hbm>>, %arg3: memref<32x79x128xi32, #tpu.memory_space<hbm>>, %arg4: memref<32x79x128xi32, #tpu.memory_space<hbm>>, %arg5: memref<2x10240x128xf32, #tpu.memory_space<hbm>>, %arg6: memref<79x128xi32, #tpu.memory_space<vmem>>, %arg7: memref<79x128xi32, #tpu.memory_space<vmem>>, %arg8: memref<128x128xf32, #tpu.memory_space<vmem>>, %arg9: memref<10240x128xf32, #tpu.memory_space<vmem_shared>>, %arg10: memref<!tpu.dma_semaphore, #tpu.memory_space<semaphore_mem>>) attributes {dimension_semantics = [#tpu.dimension_semantics<core_parallel>, #tpu.dimension_semantics<subcore_parallel>], iteration_bounds = array<i64: 2, 16>, scalar_prefetch = 0 : i64, scratch_operands = 5 : i64, tpu.core_type = #tpu.core_type<sc_vector_subcore>, window_params = [{transform_indices = #map}, {transform_indices = #map1}, {transform_indices = #map1}, {transform_indices = #map1}]} {
    %mul3A = arith.constant 16 : i32
    %mul3A_0 = arith.muli %arg0, %mul3A : i32
    %add3A = arith.addi %mul3A_0, %arg1 : i32
    "tpu.region"() ({
      %run_scoped3A = tpu.sem_alloc : memref<!tpu.dma_semaphore, #tpu.memory_space<semaphore_mem>>
      %dma_start3A = arith.constant 0 : i32
      %dma_start3A_37 = arith.constant 0 : i32
      %dma_start3A_38 = tpu.memref_slice %arg3[%add3A, %dma_start3A, %dma_start3A_37] : memref<32x79x128xi32, #tpu.memory_space<hbm>> -> memref<1x79x128xi32, #tpu.memory_space<hbm>>
      %dma_start3A_39 = tpu.memref_squeeze %dma_start3A_38 : memref<1x79x128xi32, #tpu.memory_space<hbm>> -> memref<79x128xi32, #tpu.memory_space<hbm>>
      %dma_start3A_40 = arith.constant 0 : i32
      %dma_start3A_41 = arith.constant 0 : i32
      %dma_start3A_42 = tpu.memref_slice %arg3[%add3A, %dma_start3A_40, %dma_start3A_41] : memref<32x79x128xi32, #tpu.memory_space<hbm>> -> memref<1x79x128xi32, #tpu.memory_space<hbm>>
      %dma_start3A_43 = tpu.memref_squeeze %dma_start3A_42 : memref<1x79x128xi32, #tpu.memory_space<hbm>> -> memref<79x128xi32, #tpu.memory_space<hbm>>
      tpu.enqueue_dma source(%dma_start3A_43 : memref<79x128xi32, #tpu.memory_space<hbm>>) target(%arg6 : memref<79x128xi32, #tpu.memory_space<vmem>>) target_semaphore(%run_scoped3A : memref<!tpu.dma_semaphore, #tpu.memory_space<semaphore_mem>>)
      %dma_wait3A = arith.constant 0 : i32
      %dma_wait3A_44 = arith.constant 0 : i32
      %dma_wait3A_45 = tpu.memref_slice %arg3[%add3A, %dma_wait3A, %dma_wait3A_44] : memref<32x79x128xi32, #tpu.memory_space<hbm>> -> memref<1x79x128xi32, #tpu.memory_space<hbm>>
      %dma_wait3A_46 = tpu.memref_squeeze %dma_wait3A_45 : memref<1x79x128xi32, #tpu.memory_space<hbm>> -> memref<79x128xi32, #tpu.memory_space<hbm>>
      %dma_wait3A_47 = arith.constant 0 : i32
      %dma_wait3A_48 = arith.constant 0 : i32
      %dma_wait3A_49 = tpu.memref_slice %arg3[%add3A, %dma_wait3A_47, %dma_wait3A_48] : memref<32x79x128xi32, #tpu.memory_space<hbm>> -> memref<1x79x128xi32, #tpu.memory_space<hbm>>
      %dma_wait3A_50 = tpu.memref_squeeze %dma_wait3A_49 : memref<1x79x128xi32, #tpu.memory_space<hbm>> -> memref<79x128xi32, #tpu.memory_space<hbm>>
      tpu.wait_dma2 semaphore(%run_scoped3A : memref<!tpu.dma_semaphore, #tpu.memory_space<semaphore_mem>>) src(%dma_wait3A_50 : memref<79x128xi32, #tpu.memory_space<hbm>>) dst(%arg6 : memref<79x128xi32, #tpu.memory_space<vmem>>)
      tpu.yield
    }) : () -> ()
    "tpu.region"() ({
      %run_scoped3A = tpu.sem_alloc : memref<!tpu.dma_semaphore, #tpu.memory_space<semaphore_mem>>
      %dma_start3A = arith.constant 0 : i32
      %dma_start3A_37 = arith.constant 0 : i32
      %dma_start3A_38 = tpu.memref_slice %arg4[%add3A, %dma_start3A, %dma_start3A_37] : memref<32x79x128xi32, #tpu.memory_space<hbm>> -> memref<1x79x128xi32, #tpu.memory_space<hbm>>
      %dma_start3A_39 = tpu.memref_squeeze %dma_start3A_38 : memref<1x79x128xi32, #tpu.memory_space<hbm>> -> memref<79x128xi32, #tpu.memory_space<hbm>>
      %dma_start3A_40 = arith.constant 0 : i32
      %dma_start3A_41 = arith.constant 0 : i32
      %dma_start3A_42 = tpu.memref_slice %arg4[%add3A, %dma_start3A_40, %dma_start3A_41] : memref<32x79x128xi32, #tpu.memory_space<hbm>> -> memref<1x79x128xi32, #tpu.memory_space<hbm>>
      %dma_start3A_43 = tpu.memref_squeeze %dma_start3A_42 : memref<1x79x128xi32, #tpu.memory_space<hbm>> -> memref<79x128xi32, #tpu.memory_space<hbm>>
      tpu.enqueue_dma source(%dma_start3A_43 : memref<79x128xi32, #tpu.memory_space<hbm>>) target(%arg7 : memref<79x128xi32, #tpu.memory_space<vmem>>) target_semaphore(%run_scoped3A : memref<!tpu.dma_semaphore, #tpu.memory_space<semaphore_mem>>)
      %dma_wait3A = arith.constant 0 : i32
      %dma_wait3A_44 = arith.constant 0 : i32
      %dma_wait3A_45 = tpu.memref_slice %arg4[%add3A, %dma_wait3A, %dma_wait3A_44] : memref<32x79x128xi32, #tpu.memory_space<hbm>> -> memref<1x79x128xi32, #tpu.memory_space<hbm>>
      %dma_wait3A_46 = tpu.memref_squeeze %dma_wait3A_45 : memref<1x79x128xi32, #tpu.memory_space<hbm>> -> memref<79x128xi32, #tpu.memory_space<hbm>>
      %dma_wait3A_47 = arith.constant 0 : i32
      %dma_wait3A_48 = arith.constant 0 : i32
      %dma_wait3A_49 = tpu.memref_slice %arg4[%add3A, %dma_wait3A_47, %dma_wait3A_48] : memref<32x79x128xi32, #tpu.memory_space<hbm>> -> memref<1x79x128xi32, #tpu.memory_space<hbm>>
      %dma_wait3A_50 = tpu.memref_squeeze %dma_wait3A_49 : memref<1x79x128xi32, #tpu.memory_space<hbm>> -> memref<79x128xi32, #tpu.memory_space<hbm>>
      tpu.wait_dma2 semaphore(%run_scoped3A : memref<!tpu.dma_semaphore, #tpu.memory_space<semaphore_mem>>) src(%dma_wait3A_50 : memref<79x128xi32, #tpu.memory_space<hbm>>) dst(%arg7 : memref<79x128xi32, #tpu.memory_space<vmem>>)
      tpu.yield
    }) : () -> ()
    %scan3A = arith.constant 0 : i32
    %scan3A_1 = arith.constant 0 : i32
    %scan3A_2 = arith.constant 128 : i32
    %scan3A_3 = arith.addi %scan3A_1, %scan3A_2 : i32
    %scan3A_4 = arith.constant 1 : i32
    scf.for %scan3A_37 = %scan3A_1 to %scan3A_3 step %scan3A_4  : i32 {
      %scan3A_38 = arith.constant 0 : i32
      %scan3A_39 = arith.constant 8 : i32
      %scan3A_40 = arith.addi %scan3A_38, %scan3A_39 : i32
      %scan3A_41 = arith.constant 1 : i32
      scf.for %scan3A_43 = %scan3A_38 to %scan3A_40 step %scan3A_41  : i32 {
        %broadcast_in_dim3A = arith.constant 0.000000e+00 : f32
        %broadcast_in_dim3A_44 = vector.broadcast %broadcast_in_dim3A : f32 to vector<16xf32>
        %mul3A_45 = arith.constant 16 : i32
        %mul3A_46 = arith.muli %scan3A_43, %mul3A_45 : i32
        %swap3A = arith.index_cast %scan3A_37 : i32 to index
        %swap3A_47 = arith.index_cast %mul3A_46 : i32 to index
        %swap3A_48 = tpu.vector_load %arg8[%swap3A, %swap3A_47] {strides = array<i32>} : memref<128x128xf32, #tpu.memory_space<vmem>>, vector<1x16xf32>,
        %swap3A_49 = vector.shape_cast %swap3A_48 : vector<1x16xf32> to vector<16xf32>
        %swap3A_50 = vector.shape_cast %broadcast_in_dim3A_44 : vector<16xf32> to vector<1x16xf32>
        tpu.vector_store %arg8[%swap3A, %swap3A_47], %swap3A_50 {strides = array<i32>} : memref<128x128xf32, #tpu.memory_space<vmem>>, vector<1x16xf32>,
      }
      %scan3A_42 = arith.constant 8 : i32
    }
    %scan3A_5 = arith.constant 128 : i32
    %mul3A_6 = arith.constant 640 : i32
    %mul3A_7 = arith.muli %arg1, %mul3A_6 : i32
    %add3A_8 = arith.constant 0 : i32
    %add3A_9 = arith.addi %mul3A_7, %add3A_8 : i32
    "tpu.region"() ({
      %run_scoped3A = tpu.sem_alloc : memref<!tpu.dma_semaphore, #tpu.memory_space<semaphore_mem>>
      %dma_start3A = arith.constant 0 : i32
      %dma_start3A_37 = tpu.memref_slice %arg9[%add3A_9, %dma_start3A] : memref<10240x128xf32, #tpu.memory_space<vmem_shared>> -> memref<128x128xf32, #tpu.memory_space<vmem_shared>>
      %dma_start3A_38 = arith.constant 0 : i32
      %dma_start3A_39 = tpu.memref_slice %arg9[%add3A_9, %dma_start3A_38] : memref<10240x128xf32, #tpu.memory_space<vmem_shared>> -> memref<128x128xf32, #tpu.memory_space<vmem_shared>>
      tpu.enqueue_dma source(%arg8 : memref<128x128xf32, #tpu.memory_space<vmem>>) target(%dma_start3A_39 : memref<128x128xf32, #tpu.memory_space<vmem_shared>>) target_semaphore(%run_scoped3A : memref<!tpu.dma_semaphore, #tpu.memory_space<semaphore_mem>>)
      %dma_wait3A = arith.constant 0 : i32
      %dma_wait3A_40 = tpu.memref_slice %arg9[%add3A_9, %dma_wait3A] : memref<10240x128xf32, #tpu.memory_space<vmem_shared>> -> memref<128x128xf32, #tpu.memory_space<vmem_shared>>
      %dma_wait3A_41 = arith.constant 0 : i32
      %dma_wait3A_42 = tpu.memref_slice %arg9[%add3A_9, %dma_wait3A_41] : memref<10240x128xf32, #tpu.memory_space<vmem_shared>> -> memref<128x128xf32, #tpu.memory_space<vmem_shared>>
      tpu.wait_dma2 semaphore(%run_scoped3A : memref<!tpu.dma_semaphore, #tpu.memory_space<semaphore_mem>>) src(%arg8 : memref<128x128xf32, #tpu.memory_space<vmem>>) dst(%dma_wait3A_42 : memref<128x128xf32, #tpu.memory_space<vmem_shared>>)
      tpu.yield
    }) : () -> ()
    %mul3A_10 = arith.constant 640 : i32
    %mul3A_11 = arith.muli %arg1, %mul3A_10 : i32
    %add3A_12 = arith.constant 128 : i32
    %add3A_13 = arith.addi %mul3A_11, %add3A_12 : i32
    "tpu.region"() ({
      %run_scoped3A = tpu.sem_alloc : memref<!tpu.dma_semaphore, #tpu.memory_space<semaphore_mem>>
      %dma_start3A = arith.constant 0 : i32
      %dma_start3A_37 = tpu.memref_slice %arg9[%add3A_13, %dma_start3A] : memref<10240x128xf32, #tpu.memory_space<vmem_shared>> -> memref<128x128xf32, #tpu.memory_space<vmem_shared>>
      %dma_start3A_38 = arith.constant 0 : i32
      %dma_start3A_39 = tpu.memref_slice %arg9[%add3A_13, %dma_start3A_38] : memref<10240x128xf32, #tpu.memory_space<vmem_shared>> -> memref<128x128xf32, #tpu.memory_space<vmem_shared>>
      tpu.enqueue_dma source(%arg8 : memref<128x128xf32, #tpu.memory_space<vmem>>) target(%dma_start3A_39 : memref<128x128xf32, #tpu.memory_space<vmem_shared>>) target_semaphore(%run_scoped3A : memref<!tpu.dma_semaphore, #tpu.memory_space<semaphore_mem>>)
      %dma_wait3A = arith.constant 0 : i32
      %dma_wait3A_40 = tpu.memref_slice %arg9[%add3A_13, %dma_wait3A] : memref<10240x128xf32, #tpu.memory_space<vmem_shared>> -> memref<128x128xf32, #tpu.memory_space<vmem_shared>>
      %dma_wait3A_41 = arith.constant 0 : i32
      %dma_wait3A_42 = tpu.memref_slice %arg9[%add3A_13, %dma_wait3A_41] : memref<10240x128xf32, #tpu.memory_space<vmem_shared>> -> memref<128x128xf32, #tpu.memory_space<vmem_shared>>
      tpu.wait_dma2 semaphore(%run_scoped3A : memref<!tpu.dma_semaphore, #tpu.memory_space<semaphore_mem>>) src(%arg8 : memref<128x128xf32, #tpu.memory_space<vmem>>) dst(%dma_wait3A_42 : memref<128x128xf32, #tpu.memory_space<vmem_shared>>)
      tpu.yield
    }) : () -> ()
    %mul3A_14 = arith.constant 640 : i32
    %mul3A_15 = arith.muli %arg1, %mul3A_14 : i32
    %add3A_16 = arith.constant 256 : i32
    %add3A_17 = arith.addi %mul3A_15, %add3A_16 : i32
    "tpu.region"() ({
      %run_scoped3A = tpu.sem_alloc : memref<!tpu.dma_semaphore, #tpu.memory_space<semaphore_mem>>
      %dma_start3A = arith.constant 0 : i32
      %dma_start3A_37 = tpu.memref_slice %arg9[%add3A_17, %dma_start3A] : memref<10240x128xf32, #tpu.memory_space<vmem_shared>> -> memref<128x128xf32, #tpu.memory_space<vmem_shared>>
      %dma_start3A_38 = arith.constant 0 : i32
      %dma_start3A_39 = tpu.memref_slice %arg9[%add3A_17, %dma_start3A_38] : memref<10240x128xf32, #tpu.memory_space<vmem_shared>> -> memref<128x128xf32, #tpu.memory_space<vmem_shared>>
      tpu.enqueue_dma source(%arg8 : memref<128x128xf32, #tpu.memory_space<vmem>>) target(%dma_start3A_39 : memref<128x128xf32, #tpu.memory_space<vmem_shared>>) target_semaphore(%run_scoped3A : memref<!tpu.dma_semaphore, #tpu.memory_space<semaphore_mem>>)
      %dma_wait3A = arith.constant 0 : i32
      %dma_wait3A_40 = tpu.memref_slice %arg9[%add3A_17, %dma_wait3A] : memref<10240x128xf32, #tpu.memory_space<vmem_shared>> -> memref<128x128xf32, #tpu.memory_space<vmem_shared>>
      %dma_wait3A_41 = arith.constant 0 : i32
      %dma_wait3A_42 = tpu.memref_slice %arg9[%add3A_17, %dma_wait3A_41] : memref<10240x128xf32, #tpu.memory_space<vmem_shared>> -> memref<128x128xf32, #tpu.memory_space<vmem_shared>>
      tpu.wait_dma2 semaphore(%run_scoped3A : memref<!tpu.dma_semaphore, #tpu.memory_space<semaphore_mem>>) src(%arg8 : memref<128x128xf32, #tpu.memory_space<vmem>>) dst(%dma_wait3A_42 : memref<128x128xf32, #tpu.memory_space<vmem_shared>>)
      tpu.yield
    }) : () -> ()
    %mul3A_18 = arith.constant 640 : i32
    %mul3A_19 = arith.muli %arg1, %mul3A_18 : i32
    %add3A_20 = arith.constant 384 : i32
    %add3A_21 = arith.addi %mul3A_19, %add3A_20 : i32
    "tpu.region"() ({
      %run_scoped3A = tpu.sem_alloc : memref<!tpu.dma_semaphore, #tpu.memory_space<semaphore_mem>>
      %dma_start3A = arith.constant 0 : i32
      %dma_start3A_37 = tpu.memref_slice %arg9[%add3A_21, %dma_start3A] : memref<10240x128xf32, #tpu.memory_space<vmem_shared>> -> memref<128x128xf32, #tpu.memory_space<vmem_shared>>
      %dma_start3A_38 = arith.constant 0 : i32
      %dma_start3A_39 = tpu.memref_slice %arg9[%add3A_21, %dma_start3A_38] : memref<10240x128xf32, #tpu.memory_space<vmem_shared>> -> memref<128x128xf32, #tpu.memory_space<vmem_shared>>
      tpu.enqueue_dma source(%arg8 : memref<128x128xf32, #tpu.memory_space<vmem>>) target(%dma_start3A_39 : memref<128x128xf32, #tpu.memory_space<vmem_shared>>) target_semaphore(%run_scoped3A : memref<!tpu.dma_semaphore, #tpu.memory_space<semaphore_mem>>)
      %dma_wait3A = arith.constant 0 : i32
      %dma_wait3A_40 = tpu.memref_slice %arg9[%add3A_21, %dma_wait3A] : memref<10240x128xf32, #tpu.memory_space<vmem_shared>> -> memref<128x128xf32, #tpu.memory_space<vmem_shared>>
      %dma_wait3A_41 = arith.constant 0 : i32
      %dma_wait3A_42 = tpu.memref_slice %arg9[%add3A_21, %dma_wait3A_41] : memref<10240x128xf32, #tpu.memory_space<vmem_shared>> -> memref<128x128xf32, #tpu.memory_space<vmem_shared>>
      tpu.wait_dma2 semaphore(%run_scoped3A : memref<!tpu.dma_semaphore, #tpu.memory_space<semaphore_mem>>) src(%arg8 : memref<128x128xf32, #tpu.memory_space<vmem>>) dst(%dma_wait3A_42 : memref<128x128xf32, #tpu.memory_space<vmem_shared>>)
      tpu.yield
    }) : () -> ()
    %mul3A_22 = arith.constant 640 : i32
    %mul3A_23 = arith.muli %arg1, %mul3A_22 : i32
    %add3A_24 = arith.constant 512 : i32
    %add3A_25 = arith.addi %mul3A_23, %add3A_24 : i32
    "tpu.region"() ({
      %run_scoped3A = tpu.sem_alloc : memref<!tpu.dma_semaphore, #tpu.memory_space<semaphore_mem>>
      %dma_start3A = arith.constant 0 : i32
      %dma_start3A_37 = tpu.memref_slice %arg9[%add3A_25, %dma_start3A] : memref<10240x128xf32, #tpu.memory_space<vmem_shared>> -> memref<128x128xf32, #tpu.memory_space<vmem_shared>>
      %dma_start3A_38 = arith.constant 0 : i32
      %dma_start3A_39 = tpu.memref_slice %arg9[%add3A_25, %dma_start3A_38] : memref<10240x128xf32, #tpu.memory_space<vmem_shared>> -> memref<128x128xf32, #tpu.memory_space<vmem_shared>>
      tpu.enqueue_dma source(%arg8 : memref<128x128xf32, #tpu.memory_space<vmem>>) target(%dma_start3A_39 : memref<128x128xf32, #tpu.memory_space<vmem_shared>>) target_semaphore(%run_scoped3A : memref<!tpu.dma_semaphore, #tpu.memory_space<semaphore_mem>>)
      %dma_wait3A = arith.constant 0 : i32
      %dma_wait3A_40 = tpu.memref_slice %arg9[%add3A_25, %dma_wait3A] : memref<10240x128xf32, #tpu.memory_space<vmem_shared>> -> memref<128x128xf32, #tpu.memory_space<vmem_shared>>
      %dma_wait3A_41 = arith.constant 0 : i32
      %dma_wait3A_42 = tpu.memref_slice %arg9[%add3A_25, %dma_wait3A_41] : memref<10240x128xf32, #tpu.memory_space<vmem_shared>> -> memref<128x128xf32, #tpu.memory_space<vmem_shared>>
      tpu.wait_dma2 semaphore(%run_scoped3A : memref<!tpu.dma_semaphore, #tpu.memory_space<semaphore_mem>>) src(%arg8 : memref<128x128xf32, #tpu.memory_space<vmem>>) dst(%dma_wait3A_42 : memref<128x128xf32, #tpu.memory_space<vmem_shared>>)
      tpu.yield
    }) : () -> ()
    %barrier3A = arith.constant 0 : index
    tpu.barrier barrier_id(%barrier3A)
    %scan3A_26 = arith.constant 0 : i32
    %scan3A_27 = arith.constant 0 : i32
    %scan3A_28 = arith.constant 79 : i32
    %scan3A_29 = arith.addi %scan3A_27, %scan3A_28 : i32
    %scan3A_30 = arith.constant 1 : i32
    scf.for %scan3A_37 = %scan3A_27 to %scan3A_29 step %scan3A_30  : i32 {
      %dma_start3A = arith.constant 0 : i32
      %dma_start3A_38 = tpu.memref_slice %arg6[%scan3A_37, %dma_start3A] : memref<79x128xi32, #tpu.memory_space<vmem>> -> memref<1x128xi32, #tpu.memory_space<vmem>>
      %dma_start3A_39 = tpu.memref_squeeze %dma_start3A_38 : memref<1x128xi32, #tpu.memory_space<vmem>> -> memref<128xi32, #tpu.memory_space<vmem>>
      %dma_start3A_40 = arith.constant 0 : i32
      %dma_start3A_41 = arith.constant 0 : i32
      %dma_start3A_42 = tpu.memref_slice %arg2[%dma_start3A_40, %dma_start3A_41] : memref<10000x128xf32, #tpu.memory_space<hbm>> -> memref<10000x128xf32, #tpu.memory_space<hbm>>
      tpu.enqueue_indirect_dma source(%dma_start3A_42 : memref<10000x128xf32, #tpu.memory_space<hbm>>) target(%arg8 : memref<128x128xf32, #tpu.memory_space<vmem>>) offsets(%dma_start3A_39 : memref<128xi32, #tpu.memory_space<vmem>>) semaphore(%arg10 : memref<!tpu.dma_semaphore, #tpu.memory_space<semaphore_mem>>)
      %dma_wait3A = arith.constant 0 : i32
      %dma_wait3A_43 = tpu.memref_slice %arg6[%scan3A_37, %dma_wait3A] : memref<79x128xi32, #tpu.memory_space<vmem>> -> memref<1x128xi32, #tpu.memory_space<vmem>>
      %dma_wait3A_44 = tpu.memref_squeeze %dma_wait3A_43 : memref<1x128xi32, #tpu.memory_space<vmem>> -> memref<128xi32, #tpu.memory_space<vmem>>
      %dma_wait3A_45 = arith.constant 0 : i32
      %dma_wait3A_46 = arith.constant 0 : i32
      %dma_wait3A_47 = tpu.memref_slice %arg2[%dma_wait3A_45, %dma_wait3A_46] : memref<10000x128xf32, #tpu.memory_space<hbm>> -> memref<10000x128xf32, #tpu.memory_space<hbm>>
      tpu.wait_indirect_dma semaphore(%arg10 : memref<!tpu.dma_semaphore, #tpu.memory_space<semaphore_mem>>) src(%dma_wait3A_47 : memref<10000x128xf32, #tpu.memory_space<hbm>>) dst(%arg8 : memref<128x128xf32, #tpu.memory_space<vmem>>)
      "tpu.region"() ({
        %run_scoped3A = tpu.sem_alloc : memref<!tpu.dma_semaphore, #tpu.memory_space<semaphore_mem>>
        %dma_start3A_48 = arith.constant 0 : i32
        %dma_start3A_49 = tpu.memref_slice %arg7[%scan3A_37, %dma_start3A_48] : memref<79x128xi32, #tpu.memory_space<vmem>> -> memref<1x128xi32, #tpu.memory_space<vmem>>
        %dma_start3A_50 = tpu.memref_squeeze %dma_start3A_49 : memref<1x128xi32, #tpu.memory_space<vmem>> -> memref<128xi32, #tpu.memory_space<vmem>>
        %dma_start3A_51 = arith.constant 0 : i32
        %dma_start3A_52 = arith.constant 0 : i32
        %dma_start3A_53 = tpu.memref_slice %arg9[%dma_start3A_51, %dma_start3A_52] : memref<10240x128xf32, #tpu.memory_space<vmem_shared>> -> memref<10240x128xf32, #tpu.memory_space<vmem_shared>>
        tpu.enqueue_indirect_dma source(%arg8 : memref<128x128xf32, #tpu.memory_space<vmem>>) target(%dma_start3A_53 : memref<10240x128xf32, #tpu.memory_space<vmem_shared>>) offsets(%dma_start3A_50 : memref<128xi32, #tpu.memory_space<vmem>>) semaphore(%run_scoped3A : memref<!tpu.dma_semaphore, #tpu.memory_space<semaphore_mem>>) {add = true}
        %dma_wait3A_54 = arith.constant 0 : i32
        %dma_wait3A_55 = tpu.memref_slice %arg7[%scan3A_37, %dma_wait3A_54] : memref<79x128xi32, #tpu.memory_space<vmem>> -> memref<1x128xi32, #tpu.memory_space<vmem>>
        %dma_wait3A_56 = tpu.memref_squeeze %dma_wait3A_55 : memref<1x128xi32, #tpu.memory_space<vmem>> -> memref<128xi32, #tpu.memory_space<vmem>>
        %dma_wait3A_57 = arith.constant 0 : i32
        %dma_wait3A_58 = arith.constant 0 : i32
        %dma_wait3A_59 = tpu.memref_slice %arg9[%dma_wait3A_57, %dma_wait3A_58] : memref<10240x128xf32, #tpu.memory_space<vmem_shared>> -> memref<10240x128xf32, #tpu.memory_space<vmem_shared>>
        tpu.wait_indirect_dma semaphore(%run_scoped3A : memref<!tpu.dma_semaphore, #tpu.memory_space<semaphore_mem>>) src(%arg8 : memref<128x128xf32, #tpu.memory_space<vmem>>) dst(%dma_wait3A_59 : memref<10240x128xf32, #tpu.memory_space<vmem_shared>>)
        tpu.yield
      }) : () -> ()
    }
    %scan3A_31 = arith.constant 79 : i32
    %barrier3A_32 = arith.constant 0 : index
    tpu.barrier barrier_id(%barrier3A_32)
    %mul3A_33 = arith.constant 640 : i32
    %mul3A_34 = arith.muli %arg1, %mul3A_33 : i32
    %mul3A_35 = arith.constant 640 : i32
    %mul3A_36 = arith.muli %arg1, %mul3A_35 : i32
    "tpu.region"() ({
      %run_scoped3A = tpu.sem_alloc : memref<!tpu.dma_semaphore, #tpu.memory_space<semaphore_mem>>
      %dma_start3A = arith.constant 0 : i32
      %dma_start3A_37 = tpu.memref_slice %arg5[%arg0, %mul3A_36, %dma_start3A] : memref<2x10240x128xf32, #tpu.memory_space<hbm>> -> memref<1x640x128xf32, #tpu.memory_space<hbm>>
      %dma_start3A_38 = tpu.memref_squeeze %dma_start3A_37 : memref<1x640x128xf32, #tpu.memory_space<hbm>> -> memref<640x128xf32, #tpu.memory_space<hbm>>
      %dma_start3A_39 = arith.constant 0 : i32
      %dma_start3A_40 = tpu.memref_slice %arg9[%mul3A_34, %dma_start3A_39] : memref<10240x128xf32, #tpu.memory_space<vmem_shared>> -> memref<640x128xf32, #tpu.memory_space<vmem_shared>>
      tpu.enqueue_dma source(%dma_start3A_40 : memref<640x128xf32, #tpu.memory_space<vmem_shared>>) target(%dma_start3A_38 : memref<640x128xf32, #tpu.memory_space<hbm>>) target_semaphore(%run_scoped3A : memref<!tpu.dma_semaphore, #tpu.memory_space<semaphore_mem>>)
      %dma_wait3A = arith.constant 0 : i32
      %dma_wait3A_41 = tpu.memref_slice %arg5[%arg0, %mul3A_36, %dma_wait3A] : memref<2x10240x128xf32, #tpu.memory_space<hbm>> -> memref<1x640x128xf32, #tpu.memory_space<hbm>>
      %dma_wait3A_42 = tpu.memref_squeeze %dma_wait3A_41 : memref<1x640x128xf32, #tpu.memory_space<hbm>> -> memref<640x128xf32, #tpu.memory_space<hbm>>
      %dma_wait3A_43 = arith.constant 0 : i32
      %dma_wait3A_44 = tpu.memref_slice %arg9[%mul3A_34, %dma_wait3A_43] : memref<10240x128xf32, #tpu.memory_space<vmem_shared>> -> memref<640x128xf32, #tpu.memory_space<vmem_shared>>
      tpu.wait_dma2 semaphore(%run_scoped3A : memref<!tpu.dma_semaphore, #tpu.memory_space<semaphore_mem>>) src(%dma_wait3A_44 : memref<640x128xf32, #tpu.memory_space<vmem_shared>>) dst(%dma_wait3A_42 : memref<640x128xf32, #tpu.memory_space<hbm>>)
      tpu.yield
    }) : () -> ()
    return
  }
}

#map = affine_map<(d0, d1) -> (0, 0)>
#map1 = affine_map<(d0, d1) -> (0, 0, 0)>
module attributes {stable_mosaic.version = 14 : i64} {
  func.func @_sc_seg_sum(%arg0: i32, %arg1: i32, %arg2: memref<10000x128xf32, #tpu.memory_space<hbm>>, %arg3: memref<32x79x128xi32, #tpu.memory_space<hbm>>, %arg4: memref<32x79x128xi32, #tpu.memory_space<hbm>>, %arg5: memref<2x10240x128xf32, #tpu.memory_space<hbm>>, %arg6: memref<79x128xi32, #tpu.memory_space<vmem>>, %arg7: memref<79x128xi32, #tpu.memory_space<vmem>>, %arg8: memref<128x128xf32, #tpu.memory_space<vmem>>, %arg9: memref<10240x128xf32, #tpu.memory_space<vmem_shared>>, %arg10: memref<!tpu.dma_semaphore, #tpu.memory_space<semaphore_mem>>) attributes {dimension_semantics = [#tpu.dimension_semantics<core_parallel>, #tpu.dimension_semantics<subcore_parallel>], iteration_bounds = array<i64: 2, 16>, scalar_prefetch = 0 : i64, scratch_operands = 5 : i64, tpu.core_type = #tpu.core_type<sc_vector_subcore>, window_params = [{transform_indices = #map}, {transform_indices = #map1}, {transform_indices = #map1}, {transform_indices = #map1}]} {
    %mul3A = arith.constant 16 : i32
    %mul3A_0 = arith.muli %arg0, %mul3A : i32
    %add3A = arith.addi %mul3A_0, %arg1 : i32
    "tpu.region"() ({
      %run_scoped3A = tpu.sem_alloc : memref<!tpu.dma_semaphore, #tpu.memory_space<semaphore_mem>>
      %dma_start3A = arith.constant 0 : i32
      %dma_start3A_37 = arith.constant 0 : i32
      %dma_start3A_38 = tpu.memref_slice %arg3[%add3A, %dma_start3A, %dma_start3A_37] : memref<32x79x128xi32, #tpu.memory_space<hbm>> -> memref<1x79x128xi32, #tpu.memory_space<hbm>>
      %dma_start3A_39 = tpu.memref_squeeze %dma_start3A_38 : memref<1x79x128xi32, #tpu.memory_space<hbm>> -> memref<79x128xi32, #tpu.memory_space<hbm>>
      %dma_start3A_40 = arith.constant 0 : i32
      %dma_start3A_41 = arith.constant 0 : i32
      %dma_start3A_42 = tpu.memref_slice %arg3[%add3A, %dma_start3A_40, %dma_start3A_41] : memref<32x79x128xi32, #tpu.memory_space<hbm>> -> memref<1x79x128xi32, #tpu.memory_space<hbm>>
      %dma_start3A_43 = tpu.memref_squeeze %dma_start3A_42 : memref<1x79x128xi32, #tpu.memory_space<hbm>> -> memref<79x128xi32, #tpu.memory_space<hbm>>
      tpu.enqueue_dma source(%dma_start3A_43 : memref<79x128xi32, #tpu.memory_space<hbm>>) target(%arg6 : memref<79x128xi32, #tpu.memory_space<vmem>>) target_semaphore(%run_scoped3A : memref<!tpu.dma_semaphore, #tpu.memory_space<semaphore_mem>>)
      %dma_wait3A = arith.constant 0 : i32
      %dma_wait3A_44 = arith.constant 0 : i32
      %dma_wait3A_45 = tpu.memref_slice %arg3[%add3A, %dma_wait3A, %dma_wait3A_44] : memref<32x79x128xi32, #tpu.memory_space<hbm>> -> memref<1x79x128xi32, #tpu.memory_space<hbm>>
      %dma_wait3A_46 = tpu.memref_squeeze %dma_wait3A_45 : memref<1x79x128xi32, #tpu.memory_space<hbm>> -> memref<79x128xi32, #tpu.memory_space<hbm>>
      %dma_wait3A_47 = arith.constant 0 : i32
      %dma_wait3A_48 = arith.constant 0 : i32
      %dma_wait3A_49 = tpu.memref_slice %arg3[%add3A, %dma_wait3A_47, %dma_wait3A_48] : memref<32x79x128xi32, #tpu.memory_space<hbm>> -> memref<1x79x128xi32, #tpu.memory_space<hbm>>
      %dma_wait3A_50 = tpu.memref_squeeze %dma_wait3A_49 : memref<1x79x128xi32, #tpu.memory_space<hbm>> -> memref<79x128xi32, #tpu.memory_space<hbm>>
      tpu.wait_dma2 semaphore(%run_scoped3A : memref<!tpu.dma_semaphore, #tpu.memory_space<semaphore_mem>>) src(%dma_wait3A_50 : memref<79x128xi32, #tpu.memory_space<hbm>>) dst(%arg6 : memref<79x128xi32, #tpu.memory_space<vmem>>)
      tpu.yield
    }) : () -> ()
    "tpu.region"() ({
      %run_scoped3A = tpu.sem_alloc : memref<!tpu.dma_semaphore, #tpu.memory_space<semaphore_mem>>
      %dma_start3A = arith.constant 0 : i32
      %dma_start3A_37 = arith.constant 0 : i32
      %dma_start3A_38 = tpu.memref_slice %arg4[%add3A, %dma_start3A, %dma_start3A_37] : memref<32x79x128xi32, #tpu.memory_space<hbm>> -> memref<1x79x128xi32, #tpu.memory_space<hbm>>
      %dma_start3A_39 = tpu.memref_squeeze %dma_start3A_38 : memref<1x79x128xi32, #tpu.memory_space<hbm>> -> memref<79x128xi32, #tpu.memory_space<hbm>>
      %dma_start3A_40 = arith.constant 0 : i32
      %dma_start3A_41 = arith.constant 0 : i32
      %dma_start3A_42 = tpu.memref_slice %arg4[%add3A, %dma_start3A_40, %dma_start3A_41] : memref<32x79x128xi32, #tpu.memory_space<hbm>> -> memref<1x79x128xi32, #tpu.memory_space<hbm>>
      %dma_start3A_43 = tpu.memref_squeeze %dma_start3A_42 : memref<1x79x128xi32, #tpu.memory_space<hbm>> -> memref<79x128xi32, #tpu.memory_space<hbm>>
      tpu.enqueue_dma source(%dma_start3A_43 : memref<79x128xi32, #tpu.memory_space<hbm>>) target(%arg7 : memref<79x128xi32, #tpu.memory_space<vmem>>) target_semaphore(%run_scoped3A : memref<!tpu.dma_semaphore, #tpu.memory_space<semaphore_mem>>)
      %dma_wait3A = arith.constant 0 : i32
      %dma_wait3A_44 = arith.constant 0 : i32
      %dma_wait3A_45 = tpu.memref_slice %arg4[%add3A, %dma_wait3A, %dma_wait3A_44] : memref<32x79x128xi32, #tpu.memory_space<hbm>> -> memref<1x79x128xi32, #tpu.memory_space<hbm>>
      %dma_wait3A_46 = tpu.memref_squeeze %dma_wait3A_45 : memref<1x79x128xi32, #tpu.memory_space<hbm>> -> memref<79x128xi32, #tpu.memory_space<hbm>>
      %dma_wait3A_47 = arith.constant 0 : i32
      %dma_wait3A_48 = arith.constant 0 : i32
      %dma_wait3A_49 = tpu.memref_slice %arg4[%add3A, %dma_wait3A_47, %dma_wait3A_48] : memref<32x79x128xi32, #tpu.memory_space<hbm>> -> memref<1x79x128xi32, #tpu.memory_space<hbm>>
      %dma_wait3A_50 = tpu.memref_squeeze %dma_wait3A_49 : memref<1x79x128xi32, #tpu.memory_space<hbm>> -> memref<79x128xi32, #tpu.memory_space<hbm>>
      tpu.wait_dma2 semaphore(%run_scoped3A : memref<!tpu.dma_semaphore, #tpu.memory_space<semaphore_mem>>) src(%dma_wait3A_50 : memref<79x128xi32, #tpu.memory_space<hbm>>) dst(%arg7 : memref<79x128xi32, #tpu.memory_space<vmem>>)
      tpu.yield
    }) : () -> ()
    %scan3A = arith.constant 0 : i32
    %scan3A_1 = arith.constant 0 : i32
    %scan3A_2 = arith.constant 128 : i32
    %scan3A_3 = arith.addi %scan3A_1, %scan3A_2 : i32
    %scan3A_4 = arith.constant 1 : i32
    scf.for %scan3A_37 = %scan3A_1 to %scan3A_3 step %scan3A_4  : i32 {
      %scan3A_38 = arith.constant 0 : i32
      %scan3A_39 = arith.constant 8 : i32
      %scan3A_40 = arith.addi %scan3A_38, %scan3A_39 : i32
      %scan3A_41 = arith.constant 1 : i32
      scf.for %scan3A_43 = %scan3A_38 to %scan3A_40 step %scan3A_41  : i32 {
        %broadcast_in_dim3A = arith.constant 0.000000e+00 : f32
        %broadcast_in_dim3A_44 = vector.broadcast %broadcast_in_dim3A : f32 to vector<16xf32>
        %mul3A_45 = arith.constant 16 : i32
        %mul3A_46 = arith.muli %scan3A_43, %mul3A_45 : i32
        %swap3A = arith.index_cast %scan3A_37 : i32 to index
        %swap3A_47 = arith.index_cast %mul3A_46 : i32 to index
        %swap3A_48 = tpu.vector_load %arg8[%swap3A, %swap3A_47] {strides = array<i32>} : memref<128x128xf32, #tpu.memory_space<vmem>>, vector<1x16xf32>,
        %swap3A_49 = vector.shape_cast %swap3A_48 : vector<1x16xf32> to vector<16xf32>
        %swap3A_50 = vector.shape_cast %broadcast_in_dim3A_44 : vector<16xf32> to vector<1x16xf32>
        tpu.vector_store %arg8[%swap3A, %swap3A_47], %swap3A_50 {strides = array<i32>} : memref<128x128xf32, #tpu.memory_space<vmem>>, vector<1x16xf32>,
      }
      %scan3A_42 = arith.constant 8 : i32
    }
    %scan3A_5 = arith.constant 128 : i32
    %mul3A_6 = arith.constant 640 : i32
    %mul3A_7 = arith.muli %arg1, %mul3A_6 : i32
    %add3A_8 = arith.constant 0 : i32
    %add3A_9 = arith.addi %mul3A_7, %add3A_8 : i32
    "tpu.region"() ({
      %run_scoped3A = tpu.sem_alloc : memref<!tpu.dma_semaphore, #tpu.memory_space<semaphore_mem>>
      %dma_start3A = arith.constant 0 : i32
      %dma_start3A_37 = tpu.memref_slice %arg9[%add3A_9, %dma_start3A] : memref<10240x128xf32, #tpu.memory_space<vmem_shared>> -> memref<128x128xf32, #tpu.memory_space<vmem_shared>>
      %dma_start3A_38 = arith.constant 0 : i32
      %dma_start3A_39 = tpu.memref_slice %arg9[%add3A_9, %dma_start3A_38] : memref<10240x128xf32, #tpu.memory_space<vmem_shared>> -> memref<128x128xf32, #tpu.memory_space<vmem_shared>>
      tpu.enqueue_dma source(%arg8 : memref<128x128xf32, #tpu.memory_space<vmem>>) target(%dma_start3A_39 : memref<128x128xf32, #tpu.memory_space<vmem_shared>>) target_semaphore(%run_scoped3A : memref<!tpu.dma_semaphore, #tpu.memory_space<semaphore_mem>>)
      %dma_wait3A = arith.constant 0 : i32
      %dma_wait3A_40 = tpu.memref_slice %arg9[%add3A_9, %dma_wait3A] : memref<10240x128xf32, #tpu.memory_space<vmem_shared>> -> memref<128x128xf32, #tpu.memory_space<vmem_shared>>
      %dma_wait3A_41 = arith.constant 0 : i32
      %dma_wait3A_42 = tpu.memref_slice %arg9[%add3A_9, %dma_wait3A_41] : memref<10240x128xf32, #tpu.memory_space<vmem_shared>> -> memref<128x128xf32, #tpu.memory_space<vmem_shared>>
      tpu.wait_dma2 semaphore(%run_scoped3A : memref<!tpu.dma_semaphore, #tpu.memory_space<semaphore_mem>>) src(%arg8 : memref<128x128xf32, #tpu.memory_space<vmem>>) dst(%dma_wait3A_42 : memref<128x128xf32, #tpu.memory_space<vmem_shared>>)
      tpu.yield
    }) : () -> ()
    %mul3A_10 = arith.constant 640 : i32
    %mul3A_11 = arith.muli %arg1, %mul3A_10 : i32
    %add3A_12 = arith.constant 128 : i32
    %add3A_13 = arith.addi %mul3A_11, %add3A_12 : i32
    "tpu.region"() ({
      %run_scoped3A = tpu.sem_alloc : memref<!tpu.dma_semaphore, #tpu.memory_space<semaphore_mem>>
      %dma_start3A = arith.constant 0 : i32
      %dma_start3A_37 = tpu.memref_slice %arg9[%add3A_13, %dma_start3A] : memref<10240x128xf32, #tpu.memory_space<vmem_shared>> -> memref<128x128xf32, #tpu.memory_space<vmem_shared>>
      %dma_start3A_38 = arith.constant 0 : i32
      %dma_start3A_39 = tpu.memref_slice %arg9[%add3A_13, %dma_start3A_38] : memref<10240x128xf32, #tpu.memory_space<vmem_shared>> -> memref<128x128xf32, #tpu.memory_space<vmem_shared>>
      tpu.enqueue_dma source(%arg8 : memref<128x128xf32, #tpu.memory_space<vmem>>) target(%dma_start3A_39 : memref<128x128xf32, #tpu.memory_space<vmem_shared>>) target_semaphore(%run_scoped3A : memref<!tpu.dma_semaphore, #tpu.memory_space<semaphore_mem>>)
      %dma_wait3A = arith.constant 0 : i32
      %dma_wait3A_40 = tpu.memref_slice %arg9[%add3A_13, %dma_wait3A] : memref<10240x128xf32, #tpu.memory_space<vmem_shared>> -> memref<128x128xf32, #tpu.memory_space<vmem_shared>>
      %dma_wait3A_41 = arith.constant 0 : i32
      %dma_wait3A_42 = tpu.memref_slice %arg9[%add3A_13, %dma_wait3A_41] : memref<10240x128xf32, #tpu.memory_space<vmem_shared>> -> memref<128x128xf32, #tpu.memory_space<vmem_shared>>
      tpu.wait_dma2 semaphore(%run_scoped3A : memref<!tpu.dma_semaphore, #tpu.memory_space<semaphore_mem>>) src(%arg8 : memref<128x128xf32, #tpu.memory_space<vmem>>) dst(%dma_wait3A_42 : memref<128x128xf32, #tpu.memory_space<vmem_shared>>)
      tpu.yield
    }) : () -> ()
    %mul3A_14 = arith.constant 640 : i32
    %mul3A_15 = arith.muli %arg1, %mul3A_14 : i32
    %add3A_16 = arith.constant 256 : i32
    %add3A_17 = arith.addi %mul3A_15, %add3A_16 : i32
    "tpu.region"() ({
      %run_scoped3A = tpu.sem_alloc : memref<!tpu.dma_semaphore, #tpu.memory_space<semaphore_mem>>
      %dma_start3A = arith.constant 0 : i32
      %dma_start3A_37 = tpu.memref_slice %arg9[%add3A_17, %dma_start3A] : memref<10240x128xf32, #tpu.memory_space<vmem_shared>> -> memref<128x128xf32, #tpu.memory_space<vmem_shared>>
      %dma_start3A_38 = arith.constant 0 : i32
      %dma_start3A_39 = tpu.memref_slice %arg9[%add3A_17, %dma_start3A_38] : memref<10240x128xf32, #tpu.memory_space<vmem_shared>> -> memref<128x128xf32, #tpu.memory_space<vmem_shared>>
      tpu.enqueue_dma source(%arg8 : memref<128x128xf32, #tpu.memory_space<vmem>>) target(%dma_start3A_39 : memref<128x128xf32, #tpu.memory_space<vmem_shared>>) target_semaphore(%run_scoped3A : memref<!tpu.dma_semaphore, #tpu.memory_space<semaphore_mem>>)
      %dma_wait3A = arith.constant 0 : i32
      %dma_wait3A_40 = tpu.memref_slice %arg9[%add3A_17, %dma_wait3A] : memref<10240x128xf32, #tpu.memory_space<vmem_shared>> -> memref<128x128xf32, #tpu.memory_space<vmem_shared>>
      %dma_wait3A_41 = arith.constant 0 : i32
      %dma_wait3A_42 = tpu.memref_slice %arg9[%add3A_17, %dma_wait3A_41] : memref<10240x128xf32, #tpu.memory_space<vmem_shared>> -> memref<128x128xf32, #tpu.memory_space<vmem_shared>>
      tpu.wait_dma2 semaphore(%run_scoped3A : memref<!tpu.dma_semaphore, #tpu.memory_space<semaphore_mem>>) src(%arg8 : memref<128x128xf32, #tpu.memory_space<vmem>>) dst(%dma_wait3A_42 : memref<128x128xf32, #tpu.memory_space<vmem_shared>>)
      tpu.yield
    }) : () -> ()
    %mul3A_18 = arith.constant 640 : i32
    %mul3A_19 = arith.muli %arg1, %mul3A_18 : i32
    %add3A_20 = arith.constant 384 : i32
    %add3A_21 = arith.addi %mul3A_19, %add3A_20 : i32
    "tpu.region"() ({
      %run_scoped3A = tpu.sem_alloc : memref<!tpu.dma_semaphore, #tpu.memory_space<semaphore_mem>>
      %dma_start3A = arith.constant 0 : i32
      %dma_start3A_37 = tpu.memref_slice %arg9[%add3A_21, %dma_start3A] : memref<10240x128xf32, #tpu.memory_space<vmem_shared>> -> memref<128x128xf32, #tpu.memory_space<vmem_shared>>
      %dma_start3A_38 = arith.constant 0 : i32
      %dma_start3A_39 = tpu.memref_slice %arg9[%add3A_21, %dma_start3A_38] : memref<10240x128xf32, #tpu.memory_space<vmem_shared>> -> memref<128x128xf32, #tpu.memory_space<vmem_shared>>
      tpu.enqueue_dma source(%arg8 : memref<128x128xf32, #tpu.memory_space<vmem>>) target(%dma_start3A_39 : memref<128x128xf32, #tpu.memory_space<vmem_shared>>) target_semaphore(%run_scoped3A : memref<!tpu.dma_semaphore, #tpu.memory_space<semaphore_mem>>)
      %dma_wait3A = arith.constant 0 : i32
      %dma_wait3A_40 = tpu.memref_slice %arg9[%add3A_21, %dma_wait3A] : memref<10240x128xf32, #tpu.memory_space<vmem_shared>> -> memref<128x128xf32, #tpu.memory_space<vmem_shared>>
      %dma_wait3A_41 = arith.constant 0 : i32
      %dma_wait3A_42 = tpu.memref_slice %arg9[%add3A_21, %dma_wait3A_41] : memref<10240x128xf32, #tpu.memory_space<vmem_shared>> -> memref<128x128xf32, #tpu.memory_space<vmem_shared>>
      tpu.wait_dma2 semaphore(%run_scoped3A : memref<!tpu.dma_semaphore, #tpu.memory_space<semaphore_mem>>) src(%arg8 : memref<128x128xf32, #tpu.memory_space<vmem>>) dst(%dma_wait3A_42 : memref<128x128xf32, #tpu.memory_space<vmem_shared>>)
      tpu.yield
    }) : () -> ()
    %mul3A_22 = arith.constant 640 : i32
    %mul3A_23 = arith.muli %arg1, %mul3A_22 : i32
    %add3A_24 = arith.constant 512 : i32
    %add3A_25 = arith.addi %mul3A_23, %add3A_24 : i32
    "tpu.region"() ({
      %run_scoped3A = tpu.sem_alloc : memref<!tpu.dma_semaphore, #tpu.memory_space<semaphore_mem>>
      %dma_start3A = arith.constant 0 : i32
      %dma_start3A_37 = tpu.memref_slice %arg9[%add3A_25, %dma_start3A] : memref<10240x128xf32, #tpu.memory_space<vmem_shared>> -> memref<128x128xf32, #tpu.memory_space<vmem_shared>>
      %dma_start3A_38 = arith.constant 0 : i32
      %dma_start3A_39 = tpu.memref_slice %arg9[%add3A_25, %dma_start3A_38] : memref<10240x128xf32, #tpu.memory_space<vmem_shared>> -> memref<128x128xf32, #tpu.memory_space<vmem_shared>>
      tpu.enqueue_dma source(%arg8 : memref<128x128xf32, #tpu.memory_space<vmem>>) target(%dma_start3A_39 : memref<128x128xf32, #tpu.memory_space<vmem_shared>>) target_semaphore(%run_scoped3A : memref<!tpu.dma_semaphore, #tpu.memory_space<semaphore_mem>>)
      %dma_wait3A = arith.constant 0 : i32
      %dma_wait3A_40 = tpu.memref_slice %arg9[%add3A_25, %dma_wait3A] : memref<10240x128xf32, #tpu.memory_space<vmem_shared>> -> memref<128x128xf32, #tpu.memory_space<vmem_shared>>
      %dma_wait3A_41 = arith.constant 0 : i32
      %dma_wait3A_42 = tpu.memref_slice %arg9[%add3A_25, %dma_wait3A_41] : memref<10240x128xf32, #tpu.memory_space<vmem_shared>> -> memref<128x128xf32, #tpu.memory_space<vmem_shared>>
      tpu.wait_dma2 semaphore(%run_scoped3A : memref<!tpu.dma_semaphore, #tpu.memory_space<semaphore_mem>>) src(%arg8 : memref<128x128xf32, #tpu.memory_space<vmem>>) dst(%dma_wait3A_42 : memref<128x128xf32, #tpu.memory_space<vmem_shared>>)
      tpu.yield
    }) : () -> ()
    %barrier3A = arith.constant 0 : index
    tpu.barrier barrier_id(%barrier3A)
    %scan3A_26 = arith.constant 0 : i32
    %scan3A_27 = arith.constant 0 : i32
    %scan3A_28 = arith.constant 79 : i32
    %scan3A_29 = arith.addi %scan3A_27, %scan3A_28 : i32
    %scan3A_30 = arith.constant 1 : i32
    scf.for %scan3A_37 = %scan3A_27 to %scan3A_29 step %scan3A_30  : i32 {
      %dma_start3A = arith.constant 0 : i32
      %dma_start3A_38 = tpu.memref_slice %arg6[%scan3A_37, %dma_start3A] : memref<79x128xi32, #tpu.memory_space<vmem>> -> memref<1x128xi32, #tpu.memory_space<vmem>>
      %dma_start3A_39 = tpu.memref_squeeze %dma_start3A_38 : memref<1x128xi32, #tpu.memory_space<vmem>> -> memref<128xi32, #tpu.memory_space<vmem>>
      %dma_start3A_40 = arith.constant 0 : i32
      %dma_start3A_41 = arith.constant 0 : i32
      %dma_start3A_42 = tpu.memref_slice %arg2[%dma_start3A_40, %dma_start3A_41] : memref<10000x128xf32, #tpu.memory_space<hbm>> -> memref<10000x128xf32, #tpu.memory_space<hbm>>
      tpu.enqueue_indirect_dma source(%dma_start3A_42 : memref<10000x128xf32, #tpu.memory_space<hbm>>) target(%arg8 : memref<128x128xf32, #tpu.memory_space<vmem>>) offsets(%dma_start3A_39 : memref<128xi32, #tpu.memory_space<vmem>>) semaphore(%arg10 : memref<!tpu.dma_semaphore, #tpu.memory_space<semaphore_mem>>)
      %dma_wait3A = arith.constant 0 : i32
      %dma_wait3A_43 = tpu.memref_slice %arg6[%scan3A_37, %dma_wait3A] : memref<79x128xi32, #tpu.memory_space<vmem>> -> memref<1x128xi32, #tpu.memory_space<vmem>>
      %dma_wait3A_44 = tpu.memref_squeeze %dma_wait3A_43 : memref<1x128xi32, #tpu.memory_space<vmem>> -> memref<128xi32, #tpu.memory_space<vmem>>
      %dma_wait3A_45 = arith.constant 0 : i32
      %dma_wait3A_46 = arith.constant 0 : i32
      %dma_wait3A_47 = tpu.memref_slice %arg2[%dma_wait3A_45, %dma_wait3A_46] : memref<10000x128xf32, #tpu.memory_space<hbm>> -> memref<10000x128xf32, #tpu.memory_space<hbm>>
      tpu.wait_indirect_dma semaphore(%arg10 : memref<!tpu.dma_semaphore, #tpu.memory_space<semaphore_mem>>) src(%dma_wait3A_47 : memref<10000x128xf32, #tpu.memory_space<hbm>>) dst(%arg8 : memref<128x128xf32, #tpu.memory_space<vmem>>)
      "tpu.region"() ({
        %run_scoped3A = tpu.sem_alloc : memref<!tpu.dma_semaphore, #tpu.memory_space<semaphore_mem>>
        %dma_start3A_48 = arith.constant 0 : i32
        %dma_start3A_49 = tpu.memref_slice %arg7[%scan3A_37, %dma_start3A_48] : memref<79x128xi32, #tpu.memory_space<vmem>> -> memref<1x128xi32, #tpu.memory_space<vmem>>
        %dma_start3A_50 = tpu.memref_squeeze %dma_start3A_49 : memref<1x128xi32, #tpu.memory_space<vmem>> -> memref<128xi32, #tpu.memory_space<vmem>>
        %dma_start3A_51 = arith.constant 0 : i32
        %dma_start3A_52 = arith.constant 0 : i32
        %dma_start3A_53 = tpu.memref_slice %arg9[%dma_start3A_51, %dma_start3A_52] : memref<10240x128xf32, #tpu.memory_space<vmem_shared>> -> memref<10240x128xf32, #tpu.memory_space<vmem_shared>>
        tpu.enqueue_indirect_dma source(%arg8 : memref<128x128xf32, #tpu.memory_space<vmem>>) target(%dma_start3A_53 : memref<10240x128xf32, #tpu.memory_space<vmem_shared>>) offsets(%dma_start3A_50 : memref<128xi32, #tpu.memory_space<vmem>>) semaphore(%run_scoped3A : memref<!tpu.dma_semaphore, #tpu.memory_space<semaphore_mem>>) {add = true}
        %dma_wait3A_54 = arith.constant 0 : i32
        %dma_wait3A_55 = tpu.memref_slice %arg7[%scan3A_37, %dma_wait3A_54] : memref<79x128xi32, #tpu.memory_space<vmem>> -> memref<1x128xi32, #tpu.memory_space<vmem>>
        %dma_wait3A_56 = tpu.memref_squeeze %dma_wait3A_55 : memref<1x128xi32, #tpu.memory_space<vmem>> -> memref<128xi32, #tpu.memory_space<vmem>>
        %dma_wait3A_57 = arith.constant 0 : i32
        %dma_wait3A_58 = arith.constant 0 : i32
        %dma_wait3A_59 = tpu.memref_slice %arg9[%dma_wait3A_57, %dma_wait3A_58] : memref<10240x128xf32, #tpu.memory_space<vmem_shared>> -> memref<10240x128xf32, #tpu.memory_space<vmem_shared>>
        tpu.wait_indirect_dma semaphore(%run_scoped3A : memref<!tpu.dma_semaphore, #tpu.memory_space<semaphore_mem>>) src(%arg8 : memref<128x128xf32, #tpu.memory_space<vmem>>) dst(%dma_wait3A_59 : memref<10240x128xf32, #tpu.memory_space<vmem_shared>>)
        tpu.yield
      }) : () -> ()
    }
    %scan3A_31 = arith.constant 79 : i32
    %barrier3A_32 = arith.constant 0 : index
    tpu.barrier barrier_id(%barrier3A_32)
    %mul3A_33 = arith.constant 640 : i32
    %mul3A_34 = arith.muli %arg1, %mul3A_33 : i32
    %mul3A_35 = arith.constant 640 : i32
    %mul3A_36 = arith.muli %arg1, %mul3A_35 : i32
    "tpu.region"() ({
      %run_scoped3A = tpu.sem_alloc : memref<!tpu.dma_semaphore, #tpu.memory_space<semaphore_mem>>
      %dma_start3A = arith.constant 0 : i32
      %dma_start3A_37 = tpu.memref_slice %arg5[%arg0, %mul3A_36, %dma_start3A] : memref<2x10240x128xf32, #tpu.memory_space<hbm>> -> memref<1x640x128xf32, #tpu.memory_space<hbm>>
      %dma_start3A_38 = tpu.memref_squeeze %dma_start3A_37 : memref<1x640x128xf32, #tpu.memory_space<hbm>> -> memref<640x128xf32, #tpu.memory_space<hbm>>
      %dma_start3A_39 = arith.constant 0 : i32
      %dma_start3A_40 = tpu.memref_slice %arg9[%mul3A_34, %dma_start3A_39] : memref<10240x128xf32, #tpu.memory_space<vmem_shared>> -> memref<640x128xf32, #tpu.memory_space<vmem_shared>>
      tpu.enqueue_dma source(%dma_start3A_40 : memref<640x128xf32, #tpu.memory_space<vmem_shared>>) target(%dma_start3A_38 : memref<640x128xf32, #tpu.memory_space<hbm>>) target_semaphore(%run_scoped3A : memref<!tpu.dma_semaphore, #tpu.memory_space<semaphore_mem>>)
      %dma_wait3A = arith.constant 0 : i32
      %dma_wait3A_41 = tpu.memref_slice %arg5[%arg0, %mul3A_36, %dma_wait3A] : memref<2x10240x128xf32, #tpu.memory_space<hbm>> -> memref<1x640x128xf32, #tpu.memory_space<hbm>>
      %dma_wait3A_42 = tpu.memref_squeeze %dma_wait3A_41 : memref<1x640x128xf32, #tpu.memory_space<hbm>> -> memref<640x128xf32, #tpu.memory_space<hbm>>
      %dma_wait3A_43 = arith.constant 0 : i32
      %dma_wait3A_44 = tpu.memref_slice %arg9[%mul3A_34, %dma_wait3A_43] : memref<10240x128xf32, #tpu.memory_space<vmem_shared>> -> memref<640x128xf32, #tpu.memory_space<vmem_shared>>
      tpu.wait_dma2 semaphore(%run_scoped3A : memref<!tpu.dma_semaphore, #tpu.memory_space<semaphore_mem>>) src(%dma_wait3A_44 : memref<640x128xf32, #tpu.memory_space<vmem_shared>>) dst(%dma_wait3A_42 : memref<640x128xf32, #tpu.memory_space<hbm>>)
      tpu.yield
    }) : () -> ()
    return
  }
}

#map = affine_map<(d0, d1) -> (0, 0)>
#map1 = affine_map<(d0, d1) -> (0, 0, 0)>
module attributes {stable_mosaic.version = 14 : i64} {
  func.func @_sc_seg_sum(%arg0: i32, %arg1: i32, %arg2: memref<10000x128xf32, #tpu.memory_space<hbm>>, %arg3: memref<32x79x128xi32, #tpu.memory_space<hbm>>, %arg4: memref<32x79x128xi32, #tpu.memory_space<hbm>>, %arg5: memref<2x10240x128xf32, #tpu.memory_space<hbm>>, %arg6: memref<79x128xi32, #tpu.memory_space<vmem>>, %arg7: memref<79x128xi32, #tpu.memory_space<vmem>>, %arg8: memref<128x128xf32, #tpu.memory_space<vmem>>, %arg9: memref<10240x128xf32, #tpu.memory_space<vmem_shared>>, %arg10: memref<!tpu.dma_semaphore, #tpu.memory_space<semaphore_mem>>) attributes {dimension_semantics = [#tpu.dimension_semantics<core_parallel>, #tpu.dimension_semantics<subcore_parallel>], iteration_bounds = array<i64: 2, 16>, scalar_prefetch = 0 : i64, scratch_operands = 5 : i64, tpu.core_type = #tpu.core_type<sc_vector_subcore>, window_params = [{transform_indices = #map}, {transform_indices = #map1}, {transform_indices = #map1}, {transform_indices = #map1}]} {
    %mul3A = arith.constant 16 : i32
    %mul3A_0 = arith.muli %arg0, %mul3A : i32
    %add3A = arith.addi %mul3A_0, %arg1 : i32
    "tpu.region"() ({
      %run_scoped3A = tpu.sem_alloc : memref<!tpu.dma_semaphore, #tpu.memory_space<semaphore_mem>>
      %dma_start3A = arith.constant 0 : i32
      %dma_start3A_37 = arith.constant 0 : i32
      %dma_start3A_38 = tpu.memref_slice %arg3[%add3A, %dma_start3A, %dma_start3A_37] : memref<32x79x128xi32, #tpu.memory_space<hbm>> -> memref<1x79x128xi32, #tpu.memory_space<hbm>>
      %dma_start3A_39 = tpu.memref_squeeze %dma_start3A_38 : memref<1x79x128xi32, #tpu.memory_space<hbm>> -> memref<79x128xi32, #tpu.memory_space<hbm>>
      %dma_start3A_40 = arith.constant 0 : i32
      %dma_start3A_41 = arith.constant 0 : i32
      %dma_start3A_42 = tpu.memref_slice %arg3[%add3A, %dma_start3A_40, %dma_start3A_41] : memref<32x79x128xi32, #tpu.memory_space<hbm>> -> memref<1x79x128xi32, #tpu.memory_space<hbm>>
      %dma_start3A_43 = tpu.memref_squeeze %dma_start3A_42 : memref<1x79x128xi32, #tpu.memory_space<hbm>> -> memref<79x128xi32, #tpu.memory_space<hbm>>
      tpu.enqueue_dma source(%dma_start3A_43 : memref<79x128xi32, #tpu.memory_space<hbm>>) target(%arg6 : memref<79x128xi32, #tpu.memory_space<vmem>>) target_semaphore(%run_scoped3A : memref<!tpu.dma_semaphore, #tpu.memory_space<semaphore_mem>>)
      %dma_wait3A = arith.constant 0 : i32
      %dma_wait3A_44 = arith.constant 0 : i32
      %dma_wait3A_45 = tpu.memref_slice %arg3[%add3A, %dma_wait3A, %dma_wait3A_44] : memref<32x79x128xi32, #tpu.memory_space<hbm>> -> memref<1x79x128xi32, #tpu.memory_space<hbm>>
      %dma_wait3A_46 = tpu.memref_squeeze %dma_wait3A_45 : memref<1x79x128xi32, #tpu.memory_space<hbm>> -> memref<79x128xi32, #tpu.memory_space<hbm>>
      %dma_wait3A_47 = arith.constant 0 : i32
      %dma_wait3A_48 = arith.constant 0 : i32
      %dma_wait3A_49 = tpu.memref_slice %arg3[%add3A, %dma_wait3A_47, %dma_wait3A_48] : memref<32x79x128xi32, #tpu.memory_space<hbm>> -> memref<1x79x128xi32, #tpu.memory_space<hbm>>
      %dma_wait3A_50 = tpu.memref_squeeze %dma_wait3A_49 : memref<1x79x128xi32, #tpu.memory_space<hbm>> -> memref<79x128xi32, #tpu.memory_space<hbm>>
      tpu.wait_dma2 semaphore(%run_scoped3A : memref<!tpu.dma_semaphore, #tpu.memory_space<semaphore_mem>>) src(%dma_wait3A_50 : memref<79x128xi32, #tpu.memory_space<hbm>>) dst(%arg6 : memref<79x128xi32, #tpu.memory_space<vmem>>)
      tpu.yield
    }) : () -> ()
    "tpu.region"() ({
      %run_scoped3A = tpu.sem_alloc : memref<!tpu.dma_semaphore, #tpu.memory_space<semaphore_mem>>
      %dma_start3A = arith.constant 0 : i32
      %dma_start3A_37 = arith.constant 0 : i32
      %dma_start3A_38 = tpu.memref_slice %arg4[%add3A, %dma_start3A, %dma_start3A_37] : memref<32x79x128xi32, #tpu.memory_space<hbm>> -> memref<1x79x128xi32, #tpu.memory_space<hbm>>
      %dma_start3A_39 = tpu.memref_squeeze %dma_start3A_38 : memref<1x79x128xi32, #tpu.memory_space<hbm>> -> memref<79x128xi32, #tpu.memory_space<hbm>>
      %dma_start3A_40 = arith.constant 0 : i32
      %dma_start3A_41 = arith.constant 0 : i32
      %dma_start3A_42 = tpu.memref_slice %arg4[%add3A, %dma_start3A_40, %dma_start3A_41] : memref<32x79x128xi32, #tpu.memory_space<hbm>> -> memref<1x79x128xi32, #tpu.memory_space<hbm>>
      %dma_start3A_43 = tpu.memref_squeeze %dma_start3A_42 : memref<1x79x128xi32, #tpu.memory_space<hbm>> -> memref<79x128xi32, #tpu.memory_space<hbm>>
      tpu.enqueue_dma source(%dma_start3A_43 : memref<79x128xi32, #tpu.memory_space<hbm>>) target(%arg7 : memref<79x128xi32, #tpu.memory_space<vmem>>) target_semaphore(%run_scoped3A : memref<!tpu.dma_semaphore, #tpu.memory_space<semaphore_mem>>)
      %dma_wait3A = arith.constant 0 : i32
      %dma_wait3A_44 = arith.constant 0 : i32
      %dma_wait3A_45 = tpu.memref_slice %arg4[%add3A, %dma_wait3A, %dma_wait3A_44] : memref<32x79x128xi32, #tpu.memory_space<hbm>> -> memref<1x79x128xi32, #tpu.memory_space<hbm>>
      %dma_wait3A_46 = tpu.memref_squeeze %dma_wait3A_45 : memref<1x79x128xi32, #tpu.memory_space<hbm>> -> memref<79x128xi32, #tpu.memory_space<hbm>>
      %dma_wait3A_47 = arith.constant 0 : i32
      %dma_wait3A_48 = arith.constant 0 : i32
      %dma_wait3A_49 = tpu.memref_slice %arg4[%add3A, %dma_wait3A_47, %dma_wait3A_48] : memref<32x79x128xi32, #tpu.memory_space<hbm>> -> memref<1x79x128xi32, #tpu.memory_space<hbm>>
      %dma_wait3A_50 = tpu.memref_squeeze %dma_wait3A_49 : memref<1x79x128xi32, #tpu.memory_space<hbm>> -> memref<79x128xi32, #tpu.memory_space<hbm>>
      tpu.wait_dma2 semaphore(%run_scoped3A : memref<!tpu.dma_semaphore, #tpu.memory_space<semaphore_mem>>) src(%dma_wait3A_50 : memref<79x128xi32, #tpu.memory_space<hbm>>) dst(%arg7 : memref<79x128xi32, #tpu.memory_space<vmem>>)
      tpu.yield
    }) : () -> ()
    %scan3A = arith.constant 0 : i32
    %scan3A_1 = arith.constant 0 : i32
    %scan3A_2 = arith.constant 128 : i32
    %scan3A_3 = arith.addi %scan3A_1, %scan3A_2 : i32
    %scan3A_4 = arith.constant 1 : i32
    scf.for %scan3A_37 = %scan3A_1 to %scan3A_3 step %scan3A_4  : i32 {
      %scan3A_38 = arith.constant 0 : i32
      %scan3A_39 = arith.constant 8 : i32
      %scan3A_40 = arith.addi %scan3A_38, %scan3A_39 : i32
      %scan3A_41 = arith.constant 1 : i32
      scf.for %scan3A_43 = %scan3A_38 to %scan3A_40 step %scan3A_41  : i32 {
        %broadcast_in_dim3A = arith.constant 0.000000e+00 : f32
        %broadcast_in_dim3A_44 = vector.broadcast %broadcast_in_dim3A : f32 to vector<16xf32>
        %mul3A_45 = arith.constant 16 : i32
        %mul3A_46 = arith.muli %scan3A_43, %mul3A_45 : i32
        %swap3A = arith.index_cast %scan3A_37 : i32 to index
        %swap3A_47 = arith.index_cast %mul3A_46 : i32 to index
        %swap3A_48 = tpu.vector_load %arg8[%swap3A, %swap3A_47] {strides = array<i32>} : memref<128x128xf32, #tpu.memory_space<vmem>>, vector<1x16xf32>,
        %swap3A_49 = vector.shape_cast %swap3A_48 : vector<1x16xf32> to vector<16xf32>
        %swap3A_50 = vector.shape_cast %broadcast_in_dim3A_44 : vector<16xf32> to vector<1x16xf32>
        tpu.vector_store %arg8[%swap3A, %swap3A_47], %swap3A_50 {strides = array<i32>} : memref<128x128xf32, #tpu.memory_space<vmem>>, vector<1x16xf32>,
      }
      %scan3A_42 = arith.constant 8 : i32
    }
    %scan3A_5 = arith.constant 128 : i32
    %mul3A_6 = arith.constant 640 : i32
    %mul3A_7 = arith.muli %arg1, %mul3A_6 : i32
    %add3A_8 = arith.constant 0 : i32
    %add3A_9 = arith.addi %mul3A_7, %add3A_8 : i32
    "tpu.region"() ({
      %run_scoped3A = tpu.sem_alloc : memref<!tpu.dma_semaphore, #tpu.memory_space<semaphore_mem>>
      %dma_start3A = arith.constant 0 : i32
      %dma_start3A_37 = tpu.memref_slice %arg9[%add3A_9, %dma_start3A] : memref<10240x128xf32, #tpu.memory_space<vmem_shared>> -> memref<128x128xf32, #tpu.memory_space<vmem_shared>>
      %dma_start3A_38 = arith.constant 0 : i32
      %dma_start3A_39 = tpu.memref_slice %arg9[%add3A_9, %dma_start3A_38] : memref<10240x128xf32, #tpu.memory_space<vmem_shared>> -> memref<128x128xf32, #tpu.memory_space<vmem_shared>>
      tpu.enqueue_dma source(%arg8 : memref<128x128xf32, #tpu.memory_space<vmem>>) target(%dma_start3A_39 : memref<128x128xf32, #tpu.memory_space<vmem_shared>>) target_semaphore(%run_scoped3A : memref<!tpu.dma_semaphore, #tpu.memory_space<semaphore_mem>>)
      %dma_wait3A = arith.constant 0 : i32
      %dma_wait3A_40 = tpu.memref_slice %arg9[%add3A_9, %dma_wait3A] : memref<10240x128xf32, #tpu.memory_space<vmem_shared>> -> memref<128x128xf32, #tpu.memory_space<vmem_shared>>
      %dma_wait3A_41 = arith.constant 0 : i32
      %dma_wait3A_42 = tpu.memref_slice %arg9[%add3A_9, %dma_wait3A_41] : memref<10240x128xf32, #tpu.memory_space<vmem_shared>> -> memref<128x128xf32, #tpu.memory_space<vmem_shared>>
      tpu.wait_dma2 semaphore(%run_scoped3A : memref<!tpu.dma_semaphore, #tpu.memory_space<semaphore_mem>>) src(%arg8 : memref<128x128xf32, #tpu.memory_space<vmem>>) dst(%dma_wait3A_42 : memref<128x128xf32, #tpu.memory_space<vmem_shared>>)
      tpu.yield
    }) : () -> ()
    %mul3A_10 = arith.constant 640 : i32
    %mul3A_11 = arith.muli %arg1, %mul3A_10 : i32
    %add3A_12 = arith.constant 128 : i32
    %add3A_13 = arith.addi %mul3A_11, %add3A_12 : i32
    "tpu.region"() ({
      %run_scoped3A = tpu.sem_alloc : memref<!tpu.dma_semaphore, #tpu.memory_space<semaphore_mem>>
      %dma_start3A = arith.constant 0 : i32
      %dma_start3A_37 = tpu.memref_slice %arg9[%add3A_13, %dma_start3A] : memref<10240x128xf32, #tpu.memory_space<vmem_shared>> -> memref<128x128xf32, #tpu.memory_space<vmem_shared>>
      %dma_start3A_38 = arith.constant 0 : i32
      %dma_start3A_39 = tpu.memref_slice %arg9[%add3A_13, %dma_start3A_38] : memref<10240x128xf32, #tpu.memory_space<vmem_shared>> -> memref<128x128xf32, #tpu.memory_space<vmem_shared>>
      tpu.enqueue_dma source(%arg8 : memref<128x128xf32, #tpu.memory_space<vmem>>) target(%dma_start3A_39 : memref<128x128xf32, #tpu.memory_space<vmem_shared>>) target_semaphore(%run_scoped3A : memref<!tpu.dma_semaphore, #tpu.memory_space<semaphore_mem>>)
      %dma_wait3A = arith.constant 0 : i32
      %dma_wait3A_40 = tpu.memref_slice %arg9[%add3A_13, %dma_wait3A] : memref<10240x128xf32, #tpu.memory_space<vmem_shared>> -> memref<128x128xf32, #tpu.memory_space<vmem_shared>>
      %dma_wait3A_41 = arith.constant 0 : i32
      %dma_wait3A_42 = tpu.memref_slice %arg9[%add3A_13, %dma_wait3A_41] : memref<10240x128xf32, #tpu.memory_space<vmem_shared>> -> memref<128x128xf32, #tpu.memory_space<vmem_shared>>
      tpu.wait_dma2 semaphore(%run_scoped3A : memref<!tpu.dma_semaphore, #tpu.memory_space<semaphore_mem>>) src(%arg8 : memref<128x128xf32, #tpu.memory_space<vmem>>) dst(%dma_wait3A_42 : memref<128x128xf32, #tpu.memory_space<vmem_shared>>)
      tpu.yield
    }) : () -> ()
    %mul3A_14 = arith.constant 640 : i32
    %mul3A_15 = arith.muli %arg1, %mul3A_14 : i32
    %add3A_16 = arith.constant 256 : i32
    %add3A_17 = arith.addi %mul3A_15, %add3A_16 : i32
    "tpu.region"() ({
      %run_scoped3A = tpu.sem_alloc : memref<!tpu.dma_semaphore, #tpu.memory_space<semaphore_mem>>
      %dma_start3A = arith.constant 0 : i32
      %dma_start3A_37 = tpu.memref_slice %arg9[%add3A_17, %dma_start3A] : memref<10240x128xf32, #tpu.memory_space<vmem_shared>> -> memref<128x128xf32, #tpu.memory_space<vmem_shared>>
      %dma_start3A_38 = arith.constant 0 : i32
      %dma_start3A_39 = tpu.memref_slice %arg9[%add3A_17, %dma_start3A_38] : memref<10240x128xf32, #tpu.memory_space<vmem_shared>> -> memref<128x128xf32, #tpu.memory_space<vmem_shared>>
      tpu.enqueue_dma source(%arg8 : memref<128x128xf32, #tpu.memory_space<vmem>>) target(%dma_start3A_39 : memref<128x128xf32, #tpu.memory_space<vmem_shared>>) target_semaphore(%run_scoped3A : memref<!tpu.dma_semaphore, #tpu.memory_space<semaphore_mem>>)
      %dma_wait3A = arith.constant 0 : i32
      %dma_wait3A_40 = tpu.memref_slice %arg9[%add3A_17, %dma_wait3A] : memref<10240x128xf32, #tpu.memory_space<vmem_shared>> -> memref<128x128xf32, #tpu.memory_space<vmem_shared>>
      %dma_wait3A_41 = arith.constant 0 : i32
      %dma_wait3A_42 = tpu.memref_slice %arg9[%add3A_17, %dma_wait3A_41] : memref<10240x128xf32, #tpu.memory_space<vmem_shared>> -> memref<128x128xf32, #tpu.memory_space<vmem_shared>>
      tpu.wait_dma2 semaphore(%run_scoped3A : memref<!tpu.dma_semaphore, #tpu.memory_space<semaphore_mem>>) src(%arg8 : memref<128x128xf32, #tpu.memory_space<vmem>>) dst(%dma_wait3A_42 : memref<128x128xf32, #tpu.memory_space<vmem_shared>>)
      tpu.yield
    }) : () -> ()
    %mul3A_18 = arith.constant 640 : i32
    %mul3A_19 = arith.muli %arg1, %mul3A_18 : i32
    %add3A_20 = arith.constant 384 : i32
    %add3A_21 = arith.addi %mul3A_19, %add3A_20 : i32
    "tpu.region"() ({
      %run_scoped3A = tpu.sem_alloc : memref<!tpu.dma_semaphore, #tpu.memory_space<semaphore_mem>>
      %dma_start3A = arith.constant 0 : i32
      %dma_start3A_37 = tpu.memref_slice %arg9[%add3A_21, %dma_start3A] : memref<10240x128xf32, #tpu.memory_space<vmem_shared>> -> memref<128x128xf32, #tpu.memory_space<vmem_shared>>
      %dma_start3A_38 = arith.constant 0 : i32
      %dma_start3A_39 = tpu.memref_slice %arg9[%add3A_21, %dma_start3A_38] : memref<10240x128xf32, #tpu.memory_space<vmem_shared>> -> memref<128x128xf32, #tpu.memory_space<vmem_shared>>
      tpu.enqueue_dma source(%arg8 : memref<128x128xf32, #tpu.memory_space<vmem>>) target(%dma_start3A_39 : memref<128x128xf32, #tpu.memory_space<vmem_shared>>) target_semaphore(%run_scoped3A : memref<!tpu.dma_semaphore, #tpu.memory_space<semaphore_mem>>)
      %dma_wait3A = arith.constant 0 : i32
      %dma_wait3A_40 = tpu.memref_slice %arg9[%add3A_21, %dma_wait3A] : memref<10240x128xf32, #tpu.memory_space<vmem_shared>> -> memref<128x128xf32, #tpu.memory_space<vmem_shared>>
      %dma_wait3A_41 = arith.constant 0 : i32
      %dma_wait3A_42 = tpu.memref_slice %arg9[%add3A_21, %dma_wait3A_41] : memref<10240x128xf32, #tpu.memory_space<vmem_shared>> -> memref<128x128xf32, #tpu.memory_space<vmem_shared>>
      tpu.wait_dma2 semaphore(%run_scoped3A : memref<!tpu.dma_semaphore, #tpu.memory_space<semaphore_mem>>) src(%arg8 : memref<128x128xf32, #tpu.memory_space<vmem>>) dst(%dma_wait3A_42 : memref<128x128xf32, #tpu.memory_space<vmem_shared>>)
      tpu.yield
    }) : () -> ()
    %mul3A_22 = arith.constant 640 : i32
    %mul3A_23 = arith.muli %arg1, %mul3A_22 : i32
    %add3A_24 = arith.constant 512 : i32
    %add3A_25 = arith.addi %mul3A_23, %add3A_24 : i32
    "tpu.region"() ({
      %run_scoped3A = tpu.sem_alloc : memref<!tpu.dma_semaphore, #tpu.memory_space<semaphore_mem>>
      %dma_start3A = arith.constant 0 : i32
      %dma_start3A_37 = tpu.memref_slice %arg9[%add3A_25, %dma_start3A] : memref<10240x128xf32, #tpu.memory_space<vmem_shared>> -> memref<128x128xf32, #tpu.memory_space<vmem_shared>>
      %dma_start3A_38 = arith.constant 0 : i32
      %dma_start3A_39 = tpu.memref_slice %arg9[%add3A_25, %dma_start3A_38] : memref<10240x128xf32, #tpu.memory_space<vmem_shared>> -> memref<128x128xf32, #tpu.memory_space<vmem_shared>>
      tpu.enqueue_dma source(%arg8 : memref<128x128xf32, #tpu.memory_space<vmem>>) target(%dma_start3A_39 : memref<128x128xf32, #tpu.memory_space<vmem_shared>>) target_semaphore(%run_scoped3A : memref<!tpu.dma_semaphore, #tpu.memory_space<semaphore_mem>>)
      %dma_wait3A = arith.constant 0 : i32
      %dma_wait3A_40 = tpu.memref_slice %arg9[%add3A_25, %dma_wait3A] : memref<10240x128xf32, #tpu.memory_space<vmem_shared>> -> memref<128x128xf32, #tpu.memory_space<vmem_shared>>
      %dma_wait3A_41 = arith.constant 0 : i32
      %dma_wait3A_42 = tpu.memref_slice %arg9[%add3A_25, %dma_wait3A_41] : memref<10240x128xf32, #tpu.memory_space<vmem_shared>> -> memref<128x128xf32, #tpu.memory_space<vmem_shared>>
      tpu.wait_dma2 semaphore(%run_scoped3A : memref<!tpu.dma_semaphore, #tpu.memory_space<semaphore_mem>>) src(%arg8 : memref<128x128xf32, #tpu.memory_space<vmem>>) dst(%dma_wait3A_42 : memref<128x128xf32, #tpu.memory_space<vmem_shared>>)
      tpu.yield
    }) : () -> ()
    %barrier3A = arith.constant 0 : index
    tpu.barrier barrier_id(%barrier3A)
    %scan3A_26 = arith.constant 0 : i32
    %scan3A_27 = arith.constant 0 : i32
    %scan3A_28 = arith.constant 79 : i32
    %scan3A_29 = arith.addi %scan3A_27, %scan3A_28 : i32
    %scan3A_30 = arith.constant 1 : i32
    scf.for %scan3A_37 = %scan3A_27 to %scan3A_29 step %scan3A_30  : i32 {
      %dma_start3A = arith.constant 0 : i32
      %dma_start3A_38 = tpu.memref_slice %arg6[%scan3A_37, %dma_start3A] : memref<79x128xi32, #tpu.memory_space<vmem>> -> memref<1x128xi32, #tpu.memory_space<vmem>>
      %dma_start3A_39 = tpu.memref_squeeze %dma_start3A_38 : memref<1x128xi32, #tpu.memory_space<vmem>> -> memref<128xi32, #tpu.memory_space<vmem>>
      %dma_start3A_40 = arith.constant 0 : i32
      %dma_start3A_41 = arith.constant 0 : i32
      %dma_start3A_42 = tpu.memref_slice %arg2[%dma_start3A_40, %dma_start3A_41] : memref<10000x128xf32, #tpu.memory_space<hbm>> -> memref<10000x128xf32, #tpu.memory_space<hbm>>
      tpu.enqueue_indirect_dma source(%dma_start3A_42 : memref<10000x128xf32, #tpu.memory_space<hbm>>) target(%arg8 : memref<128x128xf32, #tpu.memory_space<vmem>>) offsets(%dma_start3A_39 : memref<128xi32, #tpu.memory_space<vmem>>) semaphore(%arg10 : memref<!tpu.dma_semaphore, #tpu.memory_space<semaphore_mem>>)
      %dma_wait3A = arith.constant 0 : i32
      %dma_wait3A_43 = tpu.memref_slice %arg6[%scan3A_37, %dma_wait3A] : memref<79x128xi32, #tpu.memory_space<vmem>> -> memref<1x128xi32, #tpu.memory_space<vmem>>
      %dma_wait3A_44 = tpu.memref_squeeze %dma_wait3A_43 : memref<1x128xi32, #tpu.memory_space<vmem>> -> memref<128xi32, #tpu.memory_space<vmem>>
      %dma_wait3A_45 = arith.constant 0 : i32
      %dma_wait3A_46 = arith.constant 0 : i32
      %dma_wait3A_47 = tpu.memref_slice %arg2[%dma_wait3A_45, %dma_wait3A_46] : memref<10000x128xf32, #tpu.memory_space<hbm>> -> memref<10000x128xf32, #tpu.memory_space<hbm>>
      tpu.wait_indirect_dma semaphore(%arg10 : memref<!tpu.dma_semaphore, #tpu.memory_space<semaphore_mem>>) src(%dma_wait3A_47 : memref<10000x128xf32, #tpu.memory_space<hbm>>) dst(%arg8 : memref<128x128xf32, #tpu.memory_space<vmem>>)
      "tpu.region"() ({
        %run_scoped3A = tpu.sem_alloc : memref<!tpu.dma_semaphore, #tpu.memory_space<semaphore_mem>>
        %dma_start3A_48 = arith.constant 0 : i32
        %dma_start3A_49 = tpu.memref_slice %arg7[%scan3A_37, %dma_start3A_48] : memref<79x128xi32, #tpu.memory_space<vmem>> -> memref<1x128xi32, #tpu.memory_space<vmem>>
        %dma_start3A_50 = tpu.memref_squeeze %dma_start3A_49 : memref<1x128xi32, #tpu.memory_space<vmem>> -> memref<128xi32, #tpu.memory_space<vmem>>
        %dma_start3A_51 = arith.constant 0 : i32
        %dma_start3A_52 = arith.constant 0 : i32
        %dma_start3A_53 = tpu.memref_slice %arg9[%dma_start3A_51, %dma_start3A_52] : memref<10240x128xf32, #tpu.memory_space<vmem_shared>> -> memref<10240x128xf32, #tpu.memory_space<vmem_shared>>
        tpu.enqueue_indirect_dma source(%arg8 : memref<128x128xf32, #tpu.memory_space<vmem>>) target(%dma_start3A_53 : memref<10240x128xf32, #tpu.memory_space<vmem_shared>>) offsets(%dma_start3A_50 : memref<128xi32, #tpu.memory_space<vmem>>) semaphore(%run_scoped3A : memref<!tpu.dma_semaphore, #tpu.memory_space<semaphore_mem>>) {add = true}
        %dma_wait3A_54 = arith.constant 0 : i32
        %dma_wait3A_55 = tpu.memref_slice %arg7[%scan3A_37, %dma_wait3A_54] : memref<79x128xi32, #tpu.memory_space<vmem>> -> memref<1x128xi32, #tpu.memory_space<vmem>>
        %dma_wait3A_56 = tpu.memref_squeeze %dma_wait3A_55 : memref<1x128xi32, #tpu.memory_space<vmem>> -> memref<128xi32, #tpu.memory_space<vmem>>
        %dma_wait3A_57 = arith.constant 0 : i32
        %dma_wait3A_58 = arith.constant 0 : i32
        %dma_wait3A_59 = tpu.memref_slice %arg9[%dma_wait3A_57, %dma_wait3A_58] : memref<10240x128xf32, #tpu.memory_space<vmem_shared>> -> memref<10240x128xf32, #tpu.memory_space<vmem_shared>>
        tpu.wait_indirect_dma semaphore(%run_scoped3A : memref<!tpu.dma_semaphore, #tpu.memory_space<semaphore_mem>>) src(%arg8 : memref<128x128xf32, #tpu.memory_space<vmem>>) dst(%dma_wait3A_59 : memref<10240x128xf32, #tpu.memory_space<vmem_shared>>)
        tpu.yield
      }) : () -> ()
    }
    %scan3A_31 = arith.constant 79 : i32
    %barrier3A_32 = arith.constant 0 : index
    tpu.barrier barrier_id(%barrier3A_32)
    %mul3A_33 = arith.constant 640 : i32
    %mul3A_34 = arith.muli %arg1, %mul3A_33 : i32
    %mul3A_35 = arith.constant 640 : i32
    %mul3A_36 = arith.muli %arg1, %mul3A_35 : i32
    "tpu.region"() ({
      %run_scoped3A = tpu.sem_alloc : memref<!tpu.dma_semaphore, #tpu.memory_space<semaphore_mem>>
      %dma_start3A = arith.constant 0 : i32
      %dma_start3A_37 = tpu.memref_slice %arg5[%arg0, %mul3A_36, %dma_start3A] : memref<2x10240x128xf32, #tpu.memory_space<hbm>> -> memref<1x640x128xf32, #tpu.memory_space<hbm>>
      %dma_start3A_38 = tpu.memref_squeeze %dma_start3A_37 : memref<1x640x128xf32, #tpu.memory_space<hbm>> -> memref<640x128xf32, #tpu.memory_space<hbm>>
      %dma_start3A_39 = arith.constant 0 : i32
      %dma_start3A_40 = tpu.memref_slice %arg9[%mul3A_34, %dma_start3A_39] : memref<10240x128xf32, #tpu.memory_space<vmem_shared>> -> memref<640x128xf32, #tpu.memory_space<vmem_shared>>
      tpu.enqueue_dma source(%dma_start3A_40 : memref<640x128xf32, #tpu.memory_space<vmem_shared>>) target(%dma_start3A_38 : memref<640x128xf32, #tpu.memory_space<hbm>>) target_semaphore(%run_scoped3A : memref<!tpu.dma_semaphore, #tpu.memory_space<semaphore_mem>>)
      %dma_wait3A = arith.constant 0 : i32
      %dma_wait3A_41 = tpu.memref_slice %arg5[%arg0, %mul3A_36, %dma_wait3A] : memref<2x10240x128xf32, #tpu.memory_space<hbm>> -> memref<1x640x128xf32, #tpu.memory_space<hbm>>
      %dma_wait3A_42 = tpu.memref_squeeze %dma_wait3A_41 : memref<1x640x128xf32, #tpu.memory_space<hbm>> -> memref<640x128xf32, #tpu.memory_space<hbm>>
      %dma_wait3A_43 = arith.constant 0 : i32
      %dma_wait3A_44 = tpu.memref_slice %arg9[%mul3A_34, %dma_wait3A_43] : memref<10240x128xf32, #tpu.memory_space<vmem_shared>> -> memref<640x128xf32, #tpu.memory_space<vmem_shared>>
      tpu.wait_dma2 semaphore(%run_scoped3A : memref<!tpu.dma_semaphore, #tpu.memory_space<semaphore_mem>>) src(%dma_wait3A_44 : memref<640x128xf32, #tpu.memory_space<vmem_shared>>) dst(%dma_wait3A_42 : memref<640x128xf32, #tpu.memory_space<hbm>>)
      tpu.yield
    }) : () -> ()
    return
  }
}

#map = affine_map<(d0, d1) -> (0, 0, 0)>
module attributes {stable_mosaic.version = 14 : i64} {
  func.func @_sc_degree(%arg0: i32, %arg1: i32, %arg2: memref<32x79x128xi32, #tpu.memory_space<hbm>>, %arg3: memref<2x10240x128xf32, #tpu.memory_space<hbm>>, %arg4: memref<79x128xi32, #tpu.memory_space<vmem>>, %arg5: memref<128x128xf32, #tpu.memory_space<vmem>>, %arg6: memref<10240x128xf32, #tpu.memory_space<vmem_shared>>) attributes {dimension_semantics = [#tpu.dimension_semantics<core_parallel>, #tpu.dimension_semantics<subcore_parallel>], iteration_bounds = array<i64: 2, 16>, scalar_prefetch = 0 : i64, scratch_operands = 3 : i64, tpu.core_type = #tpu.core_type<sc_vector_subcore>, window_params = [{transform_indices = #map}, {transform_indices = #map}]} {
    %mul3A = arith.constant 16 : i32
    %mul3A_0 = arith.muli %arg0, %mul3A : i32
    %add3A = arith.addi %mul3A_0, %arg1 : i32
    "tpu.region"() ({
      %run_scoped3A = tpu.sem_alloc : memref<!tpu.dma_semaphore, #tpu.memory_space<semaphore_mem>>
      %dma_start3A = arith.constant 0 : i32
      %dma_start3A_43 = arith.constant 0 : i32
      %dma_start3A_44 = tpu.memref_slice %arg2[%add3A, %dma_start3A, %dma_start3A_43] : memref<32x79x128xi32, #tpu.memory_space<hbm>> -> memref<1x79x128xi32, #tpu.memory_space<hbm>>
      %dma_start3A_45 = tpu.memref_squeeze %dma_start3A_44 : memref<1x79x128xi32, #tpu.memory_space<hbm>> -> memref<79x128xi32, #tpu.memory_space<hbm>>
      %dma_start3A_46 = arith.constant 0 : i32
      %dma_start3A_47 = arith.constant 0 : i32
      %dma_start3A_48 = tpu.memref_slice %arg2[%add3A, %dma_start3A_46, %dma_start3A_47] : memref<32x79x128xi32, #tpu.memory_space<hbm>> -> memref<1x79x128xi32, #tpu.memory_space<hbm>>
      %dma_start3A_49 = tpu.memref_squeeze %dma_start3A_48 : memref<1x79x128xi32, #tpu.memory_space<hbm>> -> memref<79x128xi32, #tpu.memory_space<hbm>>
      tpu.enqueue_dma source(%dma_start3A_49 : memref<79x128xi32, #tpu.memory_space<hbm>>) target(%arg4 : memref<79x128xi32, #tpu.memory_space<vmem>>) target_semaphore(%run_scoped3A : memref<!tpu.dma_semaphore, #tpu.memory_space<semaphore_mem>>)
      %dma_wait3A = arith.constant 0 : i32
      %dma_wait3A_50 = arith.constant 0 : i32
      %dma_wait3A_51 = tpu.memref_slice %arg2[%add3A, %dma_wait3A, %dma_wait3A_50] : memref<32x79x128xi32, #tpu.memory_space<hbm>> -> memref<1x79x128xi32, #tpu.memory_space<hbm>>
      %dma_wait3A_52 = tpu.memref_squeeze %dma_wait3A_51 : memref<1x79x128xi32, #tpu.memory_space<hbm>> -> memref<79x128xi32, #tpu.memory_space<hbm>>
      %dma_wait3A_53 = arith.constant 0 : i32
      %dma_wait3A_54 = arith.constant 0 : i32
      %dma_wait3A_55 = tpu.memref_slice %arg2[%add3A, %dma_wait3A_53, %dma_wait3A_54] : memref<32x79x128xi32, #tpu.memory_space<hbm>> -> memref<1x79x128xi32, #tpu.memory_space<hbm>>
      %dma_wait3A_56 = tpu.memref_squeeze %dma_wait3A_55 : memref<1x79x128xi32, #tpu.memory_space<hbm>> -> memref<79x128xi32, #tpu.memory_space<hbm>>
      tpu.wait_dma2 semaphore(%run_scoped3A : memref<!tpu.dma_semaphore, #tpu.memory_space<semaphore_mem>>) src(%dma_wait3A_56 : memref<79x128xi32, #tpu.memory_space<hbm>>) dst(%arg4 : memref<79x128xi32, #tpu.memory_space<vmem>>)
      tpu.yield
    }) : () -> ()
    %scan3A = arith.constant 0 : i32
    %scan3A_1 = arith.constant 0 : i32
    %scan3A_2 = arith.constant 128 : i32
    %scan3A_3 = arith.addi %scan3A_1, %scan3A_2 : i32
    %scan3A_4 = arith.constant 1 : i32
    scf.for %scan3A_43 = %scan3A_1 to %scan3A_3 step %scan3A_4  : i32 {
      %scan3A_44 = arith.constant 0 : i32
      %scan3A_45 = arith.constant 8 : i32
      %scan3A_46 = arith.addi %scan3A_44, %scan3A_45 : i32
      %scan3A_47 = arith.constant 1 : i32
      scf.for %scan3A_49 = %scan3A_44 to %scan3A_46 step %scan3A_47  : i32 {
        %broadcast_in_dim3A = arith.constant 0.000000e+00 : f32
        %broadcast_in_dim3A_50 = vector.broadcast %broadcast_in_dim3A : f32 to vector<16xf32>
        %mul3A_51 = arith.constant 16 : i32
        %mul3A_52 = arith.muli %scan3A_49, %mul3A_51 : i32
        %swap3A = arith.index_cast %scan3A_43 : i32 to index
        %swap3A_53 = arith.index_cast %mul3A_52 : i32 to index
        %swap3A_54 = tpu.vector_load %arg5[%swap3A, %swap3A_53] {strides = array<i32>} : memref<128x128xf32, #tpu.memory_space<vmem>>, vector<1x16xf32>,
        %swap3A_55 = vector.shape_cast %swap3A_54 : vector<1x16xf32> to vector<16xf32>
        %swap3A_56 = vector.shape_cast %broadcast_in_dim3A_50 : vector<16xf32> to vector<1x16xf32>
        tpu.vector_store %arg5[%swap3A, %swap3A_53], %swap3A_56 {strides = array<i32>} : memref<128x128xf32, #tpu.memory_space<vmem>>, vector<1x16xf32>,
      }
      %scan3A_48 = arith.constant 8 : i32
    }
    %scan3A_5 = arith.constant 128 : i32
    %mul3A_6 = arith.constant 640 : i32
    %mul3A_7 = arith.muli %arg1, %mul3A_6 : i32
    %add3A_8 = arith.constant 0 : i32
    %add3A_9 = arith.addi %mul3A_7, %add3A_8 : i32
    "tpu.region"() ({
      %run_scoped3A = tpu.sem_alloc : memref<!tpu.dma_semaphore, #tpu.memory_space<semaphore_mem>>
      %dma_start3A = arith.constant 0 : i32
      %dma_start3A_43 = tpu.memref_slice %arg6[%add3A_9, %dma_start3A] : memref<10240x128xf32, #tpu.memory_space<vmem_shared>> -> memref<128x128xf32, #tpu.memory_space<vmem_shared>>
      %dma_start3A_44 = arith.constant 0 : i32
      %dma_start3A_45 = tpu.memref_slice %arg6[%add3A_9, %dma_start3A_44] : memref<10240x128xf32, #tpu.memory_space<vmem_shared>> -> memref<128x128xf32, #tpu.memory_space<vmem_shared>>
      tpu.enqueue_dma source(%arg5 : memref<128x128xf32, #tpu.memory_space<vmem>>) target(%dma_start3A_45 : memref<128x128xf32, #tpu.memory_space<vmem_shared>>) target_semaphore(%run_scoped3A : memref<!tpu.dma_semaphore, #tpu.memory_space<semaphore_mem>>)
      %dma_wait3A = arith.constant 0 : i32
      %dma_wait3A_46 = tpu.memref_slice %arg6[%add3A_9, %dma_wait3A] : memref<10240x128xf32, #tpu.memory_space<vmem_shared>> -> memref<128x128xf32, #tpu.memory_space<vmem_shared>>
      %dma_wait3A_47 = arith.constant 0 : i32
      %dma_wait3A_48 = tpu.memref_slice %arg6[%add3A_9, %dma_wait3A_47] : memref<10240x128xf32, #tpu.memory_space<vmem_shared>> -> memref<128x128xf32, #tpu.memory_space<vmem_shared>>
      tpu.wait_dma2 semaphore(%run_scoped3A : memref<!tpu.dma_semaphore, #tpu.memory_space<semaphore_mem>>) src(%arg5 : memref<128x128xf32, #tpu.memory_space<vmem>>) dst(%dma_wait3A_48 : memref<128x128xf32, #tpu.memory_space<vmem_shared>>)
      tpu.yield
    }) : () -> ()
    %mul3A_10 = arith.constant 640 : i32
    %mul3A_11 = arith.muli %arg1, %mul3A_10 : i32
    %add3A_12 = arith.constant 128 : i32
    %add3A_13 = arith.addi %mul3A_11, %add3A_12 : i32
    "tpu.region"() ({
      %run_scoped3A = tpu.sem_alloc : memref<!tpu.dma_semaphore, #tpu.memory_space<semaphore_mem>>
      %dma_start3A = arith.constant 0 : i32
      %dma_start3A_43 = tpu.memref_slice %arg6[%add3A_13, %dma_start3A] : memref<10240x128xf32, #tpu.memory_space<vmem_shared>> -> memref<128x128xf32, #tpu.memory_space<vmem_shared>>
      %dma_start3A_44 = arith.constant 0 : i32
      %dma_start3A_45 = tpu.memref_slice %arg6[%add3A_13, %dma_start3A_44] : memref<10240x128xf32, #tpu.memory_space<vmem_shared>> -> memref<128x128xf32, #tpu.memory_space<vmem_shared>>
      tpu.enqueue_dma source(%arg5 : memref<128x128xf32, #tpu.memory_space<vmem>>) target(%dma_start3A_45 : memref<128x128xf32, #tpu.memory_space<vmem_shared>>) target_semaphore(%run_scoped3A : memref<!tpu.dma_semaphore, #tpu.memory_space<semaphore_mem>>)
      %dma_wait3A = arith.constant 0 : i32
      %dma_wait3A_46 = tpu.memref_slice %arg6[%add3A_13, %dma_wait3A] : memref<10240x128xf32, #tpu.memory_space<vmem_shared>> -> memref<128x128xf32, #tpu.memory_space<vmem_shared>>
      %dma_wait3A_47 = arith.constant 0 : i32
      %dma_wait3A_48 = tpu.memref_slice %arg6[%add3A_13, %dma_wait3A_47] : memref<10240x128xf32, #tpu.memory_space<vmem_shared>> -> memref<128x128xf32, #tpu.memory_space<vmem_shared>>
      tpu.wait_dma2 semaphore(%run_scoped3A : memref<!tpu.dma_semaphore, #tpu.memory_space<semaphore_mem>>) src(%arg5 : memref<128x128xf32, #tpu.memory_space<vmem>>) dst(%dma_wait3A_48 : memref<128x128xf32, #tpu.memory_space<vmem_shared>>)
      tpu.yield
    }) : () -> ()
    %mul3A_14 = arith.constant 640 : i32
    %mul3A_15 = arith.muli %arg1, %mul3A_14 : i32
    %add3A_16 = arith.constant 256 : i32
    %add3A_17 = arith.addi %mul3A_15, %add3A_16 : i32
    "tpu.region"() ({
      %run_scoped3A = tpu.sem_alloc : memref<!tpu.dma_semaphore, #tpu.memory_space<semaphore_mem>>
      %dma_start3A = arith.constant 0 : i32
      %dma_start3A_43 = tpu.memref_slice %arg6[%add3A_17, %dma_start3A] : memref<10240x128xf32, #tpu.memory_space<vmem_shared>> -> memref<128x128xf32, #tpu.memory_space<vmem_shared>>
      %dma_start3A_44 = arith.constant 0 : i32
      %dma_start3A_45 = tpu.memref_slice %arg6[%add3A_17, %dma_start3A_44] : memref<10240x128xf32, #tpu.memory_space<vmem_shared>> -> memref<128x128xf32, #tpu.memory_space<vmem_shared>>
      tpu.enqueue_dma source(%arg5 : memref<128x128xf32, #tpu.memory_space<vmem>>) target(%dma_start3A_45 : memref<128x128xf32, #tpu.memory_space<vmem_shared>>) target_semaphore(%run_scoped3A : memref<!tpu.dma_semaphore, #tpu.memory_space<semaphore_mem>>)
      %dma_wait3A = arith.constant 0 : i32
      %dma_wait3A_46 = tpu.memref_slice %arg6[%add3A_17, %dma_wait3A] : memref<10240x128xf32, #tpu.memory_space<vmem_shared>> -> memref<128x128xf32, #tpu.memory_space<vmem_shared>>
      %dma_wait3A_47 = arith.constant 0 : i32
      %dma_wait3A_48 = tpu.memref_slice %arg6[%add3A_17, %dma_wait3A_47] : memref<10240x128xf32, #tpu.memory_space<vmem_shared>> -> memref<128x128xf32, #tpu.memory_space<vmem_shared>>
      tpu.wait_dma2 semaphore(%run_scoped3A : memref<!tpu.dma_semaphore, #tpu.memory_space<semaphore_mem>>) src(%arg5 : memref<128x128xf32, #tpu.memory_space<vmem>>) dst(%dma_wait3A_48 : memref<128x128xf32, #tpu.memory_space<vmem_shared>>)
      tpu.yield
    }) : () -> ()
    %mul3A_18 = arith.constant 640 : i32
    %mul3A_19 = arith.muli %arg1, %mul3A_18 : i32
    %add3A_20 = arith.constant 384 : i32
    %add3A_21 = arith.addi %mul3A_19, %add3A_20 : i32
    "tpu.region"() ({
      %run_scoped3A = tpu.sem_alloc : memref<!tpu.dma_semaphore, #tpu.memory_space<semaphore_mem>>
      %dma_start3A = arith.constant 0 : i32
      %dma_start3A_43 = tpu.memref_slice %arg6[%add3A_21, %dma_start3A] : memref<10240x128xf32, #tpu.memory_space<vmem_shared>> -> memref<128x128xf32, #tpu.memory_space<vmem_shared>>
      %dma_start3A_44 = arith.constant 0 : i32
      %dma_start3A_45 = tpu.memref_slice %arg6[%add3A_21, %dma_start3A_44] : memref<10240x128xf32, #tpu.memory_space<vmem_shared>> -> memref<128x128xf32, #tpu.memory_space<vmem_shared>>
      tpu.enqueue_dma source(%arg5 : memref<128x128xf32, #tpu.memory_space<vmem>>) target(%dma_start3A_45 : memref<128x128xf32, #tpu.memory_space<vmem_shared>>) target_semaphore(%run_scoped3A : memref<!tpu.dma_semaphore, #tpu.memory_space<semaphore_mem>>)
      %dma_wait3A = arith.constant 0 : i32
      %dma_wait3A_46 = tpu.memref_slice %arg6[%add3A_21, %dma_wait3A] : memref<10240x128xf32, #tpu.memory_space<vmem_shared>> -> memref<128x128xf32, #tpu.memory_space<vmem_shared>>
      %dma_wait3A_47 = arith.constant 0 : i32
      %dma_wait3A_48 = tpu.memref_slice %arg6[%add3A_21, %dma_wait3A_47] : memref<10240x128xf32, #tpu.memory_space<vmem_shared>> -> memref<128x128xf32, #tpu.memory_space<vmem_shared>>
      tpu.wait_dma2 semaphore(%run_scoped3A : memref<!tpu.dma_semaphore, #tpu.memory_space<semaphore_mem>>) src(%arg5 : memref<128x128xf32, #tpu.memory_space<vmem>>) dst(%dma_wait3A_48 : memref<128x128xf32, #tpu.memory_space<vmem_shared>>)
      tpu.yield
    }) : () -> ()
    %mul3A_22 = arith.constant 640 : i32
    %mul3A_23 = arith.muli %arg1, %mul3A_22 : i32
    %add3A_24 = arith.constant 512 : i32
    %add3A_25 = arith.addi %mul3A_23, %add3A_24 : i32
    "tpu.region"() ({
      %run_scoped3A = tpu.sem_alloc : memref<!tpu.dma_semaphore, #tpu.memory_space<semaphore_mem>>
      %dma_start3A = arith.constant 0 : i32
      %dma_start3A_43 = tpu.memref_slice %arg6[%add3A_25, %dma_start3A] : memref<10240x128xf32, #tpu.memory_space<vmem_shared>> -> memref<128x128xf32, #tpu.memory_space<vmem_shared>>
      %dma_start3A_44 = arith.constant 0 : i32
      %dma_start3A_45 = tpu.memref_slice %arg6[%add3A_25, %dma_start3A_44] : memref<10240x128xf32, #tpu.memory_space<vmem_shared>> -> memref<128x128xf32, #tpu.memory_space<vmem_shared>>
      tpu.enqueue_dma source(%arg5 : memref<128x128xf32, #tpu.memory_space<vmem>>) target(%dma_start3A_45 : memref<128x128xf32, #tpu.memory_space<vmem_shared>>) target_semaphore(%run_scoped3A : memref<!tpu.dma_semaphore, #tpu.memory_space<semaphore_mem>>)
      %dma_wait3A = arith.constant 0 : i32
      %dma_wait3A_46 = tpu.memref_slice %arg6[%add3A_25, %dma_wait3A] : memref<10240x128xf32, #tpu.memory_space<vmem_shared>> -> memref<128x128xf32, #tpu.memory_space<vmem_shared>>
      %dma_wait3A_47 = arith.constant 0 : i32
      %dma_wait3A_48 = tpu.memref_slice %arg6[%add3A_25, %dma_wait3A_47] : memref<10240x128xf32, #tpu.memory_space<vmem_shared>> -> memref<128x128xf32, #tpu.memory_space<vmem_shared>>
      tpu.wait_dma2 semaphore(%run_scoped3A : memref<!tpu.dma_semaphore, #tpu.memory_space<semaphore_mem>>) src(%arg5 : memref<128x128xf32, #tpu.memory_space<vmem>>) dst(%dma_wait3A_48 : memref<128x128xf32, #tpu.memory_space<vmem_shared>>)
      tpu.yield
    }) : () -> ()
    %barrier3A = arith.constant 0 : index
    tpu.barrier barrier_id(%barrier3A)
    %scan3A_26 = arith.constant 0 : i32
    %scan3A_27 = arith.constant 0 : i32
    %scan3A_28 = arith.constant 128 : i32
    %scan3A_29 = arith.addi %scan3A_27, %scan3A_28 : i32
    %scan3A_30 = arith.constant 1 : i32
    scf.for %scan3A_43 = %scan3A_27 to %scan3A_29 step %scan3A_30  : i32 {
      %scan3A_44 = arith.constant 0 : i32
      %scan3A_45 = arith.constant 8 : i32
      %scan3A_46 = arith.addi %scan3A_44, %scan3A_45 : i32
      %scan3A_47 = arith.constant 1 : i32
      scf.for %scan3A_49 = %scan3A_44 to %scan3A_46 step %scan3A_47  : i32 {
        %broadcast_in_dim3A = arith.constant 1.000000e+00 : f32
        %broadcast_in_dim3A_50 = vector.broadcast %broadcast_in_dim3A : f32 to vector<16xf32>
        %mul3A_51 = arith.constant 16 : i32
        %mul3A_52 = arith.muli %scan3A_49, %mul3A_51 : i32
        %swap3A = arith.index_cast %scan3A_43 : i32 to index
        %swap3A_53 = arith.index_cast %mul3A_52 : i32 to index
        %swap3A_54 = tpu.vector_load %arg5[%swap3A, %swap3A_53] {strides = array<i32>} : memref<128x128xf32, #tpu.memory_space<vmem>>, vector<1x16xf32>,
        %swap3A_55 = vector.shape_cast %swap3A_54 : vector<1x16xf32> to vector<16xf32>
        %swap3A_56 = vector.shape_cast %broadcast_in_dim3A_50 : vector<16xf32> to vector<1x16xf32>
        tpu.vector_store %arg5[%swap3A, %swap3A_53], %swap3A_56 {strides = array<i32>} : memref<128x128xf32, #tpu.memory_space<vmem>>, vector<1x16xf32>,
      }
      %scan3A_48 = arith.constant 8 : i32
    }
    %scan3A_31 = arith.constant 128 : i32
    %scan3A_32 = arith.constant 0 : i32
    %scan3A_33 = arith.constant 0 : i32
    %scan3A_34 = arith.constant 79 : i32
    %scan3A_35 = arith.addi %scan3A_33, %scan3A_34 : i32
    %scan3A_36 = arith.constant 1 : i32
    scf.for %scan3A_43 = %scan3A_33 to %scan3A_35 step %scan3A_36  : i32 {
      "tpu.region"() ({
        %run_scoped3A = tpu.sem_alloc : memref<!tpu.dma_semaphore, #tpu.memory_space<semaphore_mem>>
        %dma_start3A = arith.constant 0 : i32
        %dma_start3A_44 = tpu.memref_slice %arg4[%scan3A_43, %dma_start3A] : memref<79x128xi32, #tpu.memory_space<vmem>> -> memref<1x128xi32, #tpu.memory_space<vmem>>
        %dma_start3A_45 = tpu.memref_squeeze %dma_start3A_44 : memref<1x128xi32, #tpu.memory_space<vmem>> -> memref<128xi32, #tpu.memory_space<vmem>>
        %dma_start3A_46 = arith.constant 0 : i32
        %dma_start3A_47 = arith.constant 0 : i32
        %dma_start3A_48 = tpu.memref_slice %arg6[%dma_start3A_46, %dma_start3A_47] : memref<10240x128xf32, #tpu.memory_space<vmem_shared>> -> memref<10240x128xf32, #tpu.memory_space<vmem_shared>>
        tpu.enqueue_indirect_dma source(%arg5 : memref<128x128xf32, #tpu.memory_space<vmem>>) target(%dma_start3A_48 : memref<10240x128xf32, #tpu.memory_space<vmem_shared>>) offsets(%dma_start3A_45 : memref<128xi32, #tpu.memory_space<vmem>>) semaphore(%run_scoped3A : memref<!tpu.dma_semaphore, #tpu.memory_space<semaphore_mem>>) {add = true}
        %dma_wait3A = arith.constant 0 : i32
        %dma_wait3A_49 = tpu.memref_slice %arg4[%scan3A_43, %dma_wait3A] : memref<79x128xi32, #tpu.memory_space<vmem>> -> memref<1x128xi32, #tpu.memory_space<vmem>>
        %dma_wait3A_50 = tpu.memref_squeeze %dma_wait3A_49 : memref<1x128xi32, #tpu.memory_space<vmem>> -> memref<128xi32, #tpu.memory_space<vmem>>
        %dma_wait3A_51 = arith.constant 0 : i32
        %dma_wait3A_52 = arith.constant 0 : i32
        %dma_wait3A_53 = tpu.memref_slice %arg6[%dma_wait3A_51, %dma_wait3A_52] : memref<10240x128xf32, #tpu.memory_space<vmem_shared>> -> memref<10240x128xf32, #tpu.memory_space<vmem_shared>>
        tpu.wait_indirect_dma semaphore(%run_scoped3A : memref<!tpu.dma_semaphore, #tpu.memory_space<semaphore_mem>>) src(%arg5 : memref<128x128xf32, #tpu.memory_space<vmem>>) dst(%dma_wait3A_53 : memref<10240x128xf32, #tpu.memory_space<vmem_shared>>)
        tpu.yield
      }) : () -> ()
    }
    %scan3A_37 = arith.constant 79 : i32
    %barrier3A_38 = arith.constant 0 : index
    tpu.barrier barrier_id(%barrier3A_38)
    %mul3A_39 = arith.constant 640 : i32
    %mul3A_40 = arith.muli %arg1, %mul3A_39 : i32
    %mul3A_41 = arith.constant 640 : i32
    %mul3A_42 = arith.muli %arg1, %mul3A_41 : i32
    "tpu.region"() ({
      %run_scoped3A = tpu.sem_alloc : memref<!tpu.dma_semaphore, #tpu.memory_space<semaphore_mem>>
      %dma_start3A = arith.constant 0 : i32
      %dma_start3A_43 = tpu.memref_slice %arg3[%arg0, %mul3A_42, %dma_start3A] : memref<2x10240x128xf32, #tpu.memory_space<hbm>> -> memref<1x640x128xf32, #tpu.memory_space<hbm>>
      %dma_start3A_44 = tpu.memref_squeeze %dma_start3A_43 : memref<1x640x128xf32, #tpu.memory_space<hbm>> -> memref<640x128xf32, #tpu.memory_space<hbm>>
      %dma_start3A_45 = arith.constant 0 : i32
      %dma_start3A_46 = tpu.memref_slice %arg6[%mul3A_40, %dma_start3A_45] : memref<10240x128xf32, #tpu.memory_space<vmem_shared>> -> memref<640x128xf32, #tpu.memory_space<vmem_shared>>
      tpu.enqueue_dma source(%dma_start3A_46 : memref<640x128xf32, #tpu.memory_space<vmem_shared>>) target(%dma_start3A_44 : memref<640x128xf32, #tpu.memory_space<hbm>>) target_semaphore(%run_scoped3A : memref<!tpu.dma_semaphore, #tpu.memory_space<semaphore_mem>>)
      %dma_wait3A = arith.constant 0 : i32
      %dma_wait3A_47 = tpu.memref_slice %arg3[%arg0, %mul3A_42, %dma_wait3A] : memref<2x10240x128xf32, #tpu.memory_space<hbm>> -> memref<1x640x128xf32, #tpu.memory_space<hbm>>
      %dma_wait3A_48 = tpu.memref_squeeze %dma_wait3A_47 : memref<1x640x128xf32, #tpu.memory_space<hbm>> -> memref<640x128xf32, #tpu.memory_space<hbm>>
      %dma_wait3A_49 = arith.constant 0 : i32
      %dma_wait3A_50 = tpu.memref_slice %arg6[%mul3A_40, %dma_wait3A_49] : memref<10240x128xf32, #tpu.memory_space<vmem_shared>> -> memref<640x128xf32, #tpu.memory_space<vmem_shared>>
      tpu.wait_dma2 semaphore(%run_scoped3A : memref<!tpu.dma_semaphore, #tpu.memory_space<semaphore_mem>>) src(%dma_wait3A_50 : memref<640x128xf32, #tpu.memory_space<vmem_shared>>) dst(%dma_wait3A_48 : memref<640x128xf32, #tpu.memory_space<hbm>>)
      tpu.yield
    }) : () -> ()
    return
  }
}

module attributes {stable_mosaic.version = 14 : i64} {
  func.func @body(%arg0: i32, %arg1: memref<1000x128xf32, #tpu.memory_space<vmem>>, %arg2: memref<1000x128xf32, #tpu.memory_space<vmem>>) attributes {dimension_semantics = [#tpu.dimension_semantics<arbitrary>], iteration_bounds = array<i64: 10>, scalar_prefetch = 0 : i64, scratch_operands = 0 : i64, tpu.core_type = #tpu.core_type<tc>, window_params = [{transform_indices = @transform_0, window_bounds = array<i64: 1000, 128>}, {transform_indices = @transform_1, window_bounds = array<i64: 1000, 128>}]} {
    %get3A = arith.constant 0 : index
    %get3A_0 = arith.constant 0 : index
    %get3A_1 = vector.load %arg1[%get3A, %get3A_0] : memref<1000x128xf32, #tpu.memory_space<vmem>>, vector<1000x128xf32>
    %max3A = arith.constant 0.000000e+00 : f32
    %max3A_2 = vector.broadcast %max3A : f32 to vector<1000x128xf32>
    %max3A_3 = arith.maximumf %get3A_1, %max3A_2 : vector<1000x128xf32>
    %swap3A = arith.constant 0 : index
    %swap3A_4 = arith.constant 0 : index
    %swap3A_5 = vector.load %arg2[%swap3A, %swap3A_4] : memref<1000x128xf32, #tpu.memory_space<vmem>>, vector<1000x128xf32>
    tpu.vector_store %arg2[%swap3A, %swap3A_4], %max3A_3 {strides = array<i32>} : memref<1000x128xf32, #tpu.memory_space<vmem>>, vector<1000x128xf32>,
    return
  }
  func.func @transform_0(%arg0: i32) -> (i32, i32) {
    %c0_i32 = arith.constant 0 : i32
    %c0_i32_0 = arith.constant 0 : i32
    return %arg0, %c0_i32 : i32, i32
  }
  func.func @transform_1(%arg0: i32) -> (i32, i32) {
    %c0_i32 = arith.constant 0 : i32
    %c0_i32_0 = arith.constant 0 : i32
    return %arg0, %c0_i32 : i32, i32
  }
}

module attributes {stable_mosaic.version = 14 : i64} {
  func.func @body(%arg0: i32, %arg1: memref<1x1000x128xf32, #tpu.memory_space<vmem>>, %arg2: memref<1x1000x128xf32, #tpu.memory_space<vmem>>, %arg3: memref<1x1000x128xf32, #tpu.memory_space<vmem>>, %arg4: memref<1x1000x128xf32, #tpu.memory_space<vmem>>, %arg5: memref<1000x128xf32, #tpu.memory_space<vmem>>, %arg6: memref<128x256xf32, #tpu.memory_space<vmem>>, %arg7: memref<1x256xf32, #tpu.memory_space<vmem>>, %arg8: memref<1x256xf32, #tpu.memory_space<vmem>>, %arg9: memref<1x256xf32, #tpu.memory_space<vmem>>, %arg10: memref<256x128xf32, #tpu.memory_space<vmem>>, %arg11: memref<1x128xf32, #tpu.memory_space<vmem>>, %arg12: memref<1000x128xf32, #tpu.memory_space<vmem>>, %arg13: memref<1000x128xf32, #tpu.memory_space<vmem>>) attributes {dimension_semantics = [#tpu.dimension_semantics<arbitrary>], iteration_bounds = array<i64: 10>, scalar_prefetch = 0 : i64, scratch_operands = 0 : i64, tpu.core_type = #tpu.core_type<tc>, window_params = [{transform_indices = @transform_0, window_bounds = array<i64: 1, 1000, 128>}, {transform_indices = @transform_1, window_bounds = array<i64: 1, 1000, 128>}, {transform_indices = @transform_2, window_bounds = array<i64: 1, 1000, 128>}, {transform_indices = @transform_3, window_bounds = array<i64: 1, 1000, 128>}, {transform_indices = @transform_4, window_bounds = array<i64: 1000, 128>}, {pipeline_mode = #tpu.pipeline_mode<synchronous>, transform_indices = @transform_5, window_bounds = array<i64: 128, 256>}, {pipeline_mode = #tpu.pipeline_mode<synchronous>, transform_indices = @transform_6, window_bounds = array<i64: 1, 256>}, {pipeline_mode = #tpu.pipeline_mode<synchronous>, transform_indices = @transform_7, window_bounds = array<i64: 1, 256>}, {pipeline_mode = #tpu.pipeline_mode<synchronous>, transform_indices = @transform_8, window_bounds = array<i64: 1, 256>}, {pipeline_mode = #tpu.pipeline_mode<synchronous>, transform_indices = @transform_9, window_bounds = array<i64: 256, 128>}, {pipeline_mode = #tpu.pipeline_mode<synchronous>, transform_indices = @transform_10, window_bounds = array<i64: 1, 128>}, {transform_indices = @transform_11, window_bounds = array<i64: 1000, 128>}, {transform_indices = @transform_12, window_bounds = array<i64: 1000, 128>}]} {
    %get3A = arith.constant 0 : index
    %get3A_0 = arith.constant 0 : index
    %get3A_1 = arith.constant 0 : index
    %get3A_2 = vector.load %arg1[%get3A, %get3A_0, %get3A_1] : memref<1x1000x128xf32, #tpu.memory_space<vmem>>, vector<1x1000x128xf32>
    %get3A_3 = vector.shape_cast %get3A_2 : vector<1x1000x128xf32> to vector<1000x128xf32>
    %get3A_4 = arith.constant 0 : index
    %get3A_5 = arith.constant 0 : index
    %get3A_6 = arith.constant 0 : index
    %get3A_7 = vector.load %arg2[%get3A_4, %get3A_5, %get3A_6] : memref<1x1000x128xf32, #tpu.memory_space<vmem>>, vector<1x1000x128xf32>
    %get3A_8 = vector.shape_cast %get3A_7 : vector<1x1000x128xf32> to vector<1000x128xf32>
    %add3A = arith.addf %get3A_3, %get3A_8 : vector<1000x128xf32>
    %get3A_9 = arith.constant 0 : index
    %get3A_10 = arith.constant 0 : index
    %get3A_11 = arith.constant 0 : index
    %get3A_12 = vector.load %arg3[%get3A_9, %get3A_10, %get3A_11] : memref<1x1000x128xf32, #tpu.memory_space<vmem>>, vector<1x1000x128xf32>
    %get3A_13 = vector.shape_cast %get3A_12 : vector<1x1000x128xf32> to vector<1000x128xf32>
    %get3A_14 = arith.constant 0 : index
    %get3A_15 = arith.constant 0 : index
    %get3A_16 = arith.constant 0 : index
    %get3A_17 = vector.load %arg4[%get3A_14, %get3A_15, %get3A_16] : memref<1x1000x128xf32, #tpu.memory_space<vmem>>, vector<1x1000x128xf32>
    %get3A_18 = vector.shape_cast %get3A_17 : vector<1x1000x128xf32> to vector<1000x128xf32>
    %add3A_19 = arith.addf %get3A_13, %get3A_18 : vector<1000x128xf32>
    %max3A = arith.constant 1.000000e+00 : f32
    %max3A_20 = vector.broadcast %max3A : f32 to vector<1000x128xf32>
    %max3A_21 = arith.maximumf %add3A_19, %max3A_20 : vector<1000x128xf32>
    %div3A = arith.constant 1.000000e+00 : f32
    %div3A_22 = vector.broadcast %div3A : f32 to vector<1000x128xf32>
    %div3A_23 = arith.divf %div3A_22, %max3A_21 : vector<1000x128xf32>
    %mul3A = arith.constant 1.000000e-07 : f32
    %mul3A_24 = vector.broadcast %mul3A : f32 to vector<1000x128xf32>
    %mul3A_25 = arith.mulf %mul3A_24, %add3A_19 : vector<1000x128xf32>
    %add3A_26 = arith.addf %add3A, %mul3A_25 : vector<1000x128xf32>
    %mul3A_27 = arith.mulf %add3A_26, %div3A_23 : vector<1000x128xf32>
    %get3A_28 = arith.constant 0 : index
    %get3A_29 = arith.constant 0 : index
    %get3A_30 = vector.load %arg5[%get3A_28, %get3A_29] : memref<1000x128xf32, #tpu.memory_space<vmem>>, vector<1000x128xf32>
    %add3A_31 = arith.addf %mul3A_27, %get3A_30 : vector<1000x128xf32>
    %get3A_32 = arith.constant 0 : index
    %get3A_33 = arith.constant 0 : index
    %get3A_34 = vector.load %arg6[%get3A_32, %get3A_33] : memref<128x256xf32, #tpu.memory_space<vmem>>, vector<128x256xf32>
    %dot_general3A = arith.constant dense<0.000000e+00> : vector<1000x256xf32>
    %dot_general3A_35 = tpu.matmul %add3A_31, %get3A_34, %dot_general3A {dimension_numbers = #tpu.dot_dimension_numbers<[1], [0], [0], [1], [0, 0, 1, 1], [], []>, transpose_lhs_hint = false} : vector<1000x128xf32>, vector<128x256xf32>, vector<1000x256xf32> -> vector<1000x256xf32>
    %get3A_36 = arith.constant 0 : index
    %get3A_37 = arith.constant 0 : index
    %get3A_38 = vector.load %arg7[%get3A_36, %get3A_37] : memref<1x256xf32, #tpu.memory_space<vmem>>, vector<1x256xf32>
    %add3A_39 = vector.broadcast %get3A_38 : vector<1x256xf32> to vector<1000x256xf32>
    %add3A_40 = arith.addf %dot_general3A_35, %add3A_39 : vector<1000x256xf32>
    %reduce_sum3A = arith.constant dense<0.000000e+00> : vector<1000xf32>
    %reduce_sum3A_41 = vector.multi_reduction <add>, %add3A_40, %reduce_sum3A [1] : vector<1000x256xf32> to vector<1000xf32>
    %broadcast_in_dim3A = vector.shape_cast %reduce_sum3A_41 : vector<1000xf32> to vector<1000x1xf32>
    %div3A_42 = arith.constant 2.560000e+02 : f32
    %div3A_43 = vector.broadcast %div3A_42 : f32 to vector<1000x1xf32>
    %div3A_44 = arith.divf %broadcast_in_dim3A, %div3A_43 : vector<1000x1xf32>
    %sub3A = vector.broadcast %div3A_44 : vector<1000x1xf32> to vector<1000x256xf32>
    %sub3A_45 = arith.subf %add3A_40, %sub3A : vector<1000x256xf32>
    %integer_pow3A = arith.mulf %sub3A_45, %sub3A_45 : vector<1000x256xf32>
    %reduce_sum3A_46 = arith.constant dense<0.000000e+00> : vector<1000xf32>
    %reduce_sum3A_47 = vector.multi_reduction <add>, %integer_pow3A, %reduce_sum3A_46 [1] : vector<1000x256xf32> to vector<1000xf32>
    %broadcast_in_dim3A_48 = vector.shape_cast %reduce_sum3A_47 : vector<1000xf32> to vector<1000x1xf32>
    %div3A_49 = arith.constant 2.560000e+02 : f32
    %div3A_50 = vector.broadcast %div3A_49 : f32 to vector<1000x1xf32>
    %div3A_51 = arith.divf %broadcast_in_dim3A_48, %div3A_50 : vector<1000x1xf32>
    %sub3A_52 = vector.broadcast %div3A_44 : vector<1000x1xf32> to vector<1000x256xf32>
    %sub3A_53 = arith.subf %add3A_40, %sub3A_52 : vector<1000x256xf32>
    %add3A_54 = arith.constant 9.99999974E-6 : f32
    %add3A_55 = vector.broadcast %add3A_54 : f32 to vector<1000x1xf32>
    %add3A_56 = arith.addf %div3A_51, %add3A_55 : vector<1000x1xf32>
    %rsqrt3A = math.rsqrt %add3A_56 : vector<1000x1xf32>
    %mul3A_57 = vector.broadcast %rsqrt3A : vector<1000x1xf32> to vector<1000x256xf32>
    %mul3A_58 = arith.mulf %sub3A_53, %mul3A_57 : vector<1000x256xf32>
    %get3A_59 = arith.constant 0 : index
    %get3A_60 = arith.constant 0 : index
    %get3A_61 = vector.load %arg8[%get3A_59, %get3A_60] : memref<1x256xf32, #tpu.memory_space<vmem>>, vector<1x256xf32>
    %mul3A_62 = vector.broadcast %get3A_61 : vector<1x256xf32> to vector<1000x256xf32>
    %mul3A_63 = arith.mulf %mul3A_58, %mul3A_62 : vector<1000x256xf32>
    %get3A_64 = arith.constant 0 : index
    %get3A_65 = arith.constant 0 : index
    %get3A_66 = vector.load %arg9[%get3A_64, %get3A_65] : memref<1x256xf32, #tpu.memory_space<vmem>>, vector<1x256xf32>
    %add3A_67 = vector.broadcast %get3A_66 : vector<1x256xf32> to vector<1000x256xf32>
    %add3A_68 = arith.addf %mul3A_63, %add3A_67 : vector<1000x256xf32>
    %max3A_69 = arith.constant 0.000000e+00 : f32
    %max3A_70 = vector.broadcast %max3A_69 : f32 to vector<1000x256xf32>
    %max3A_71 = arith.maximumf %add3A_68, %max3A_70 : vector<1000x256xf32>
    %get3A_72 = arith.constant 0 : index
    %get3A_73 = arith.constant 0 : index
    %get3A_74 = vector.load %arg10[%get3A_72, %get3A_73] : memref<256x128xf32, #tpu.memory_space<vmem>>, vector<256x128xf32>
    %dot_general3A_75 = arith.constant dense<0.000000e+00> : vector<1000x128xf32>
    %dot_general3A_76 = tpu.matmul %max3A_71, %get3A_74, %dot_general3A_75 {dimension_numbers = #tpu.dot_dimension_numbers<[1], [0], [0], [1], [0, 0, 1, 1], [], []>, transpose_lhs_hint = false} : vector<1000x256xf32>, vector<256x128xf32>, vector<1000x128xf32> -> vector<1000x128xf32>
    %get3A_77 = arith.constant 0 : index
    %get3A_78 = arith.constant 0 : index
    %get3A_79 = vector.load %arg11[%get3A_77, %get3A_78] : memref<1x128xf32, #tpu.memory_space<vmem>>, vector<1x128xf32>
    %add3A_80 = vector.broadcast %get3A_79 : vector<1x128xf32> to vector<1000x128xf32>
    %add3A_81 = arith.addf %dot_general3A_76, %add3A_80 : vector<1000x128xf32>
    %gt3A = arith.constant 0.000000e+00 : f32
    %gt3A_82 = vector.broadcast %gt3A : f32 to vector<1000x128xf32>
    %gt3A_83 = arith.cmpf ogt, %add3A_81, %gt3A_82 : vector<1000x128xf32>
    %exp3A = math.exp %add3A_81 : vector<1000x128xf32>
    %sub3A_84 = arith.constant 1.000000e+00 : f32
    %sub3A_85 = vector.broadcast %sub3A_84 : f32 to vector<1000x128xf32>
    %sub3A_86 = arith.subf %exp3A, %sub3A_85 : vector<1000x128xf32>
    %select_n3A = arith.select %gt3A_83, %add3A_81, %sub3A_86 : vector<1000x128xi1>, vector<1000x128xf32>
    %swap3A = arith.constant 0 : index
    %swap3A_87 = arith.constant 0 : index
    %swap3A_88 = vector.load %arg12[%swap3A, %swap3A_87] : memref<1000x128xf32, #tpu.memory_space<vmem>>, vector<1000x128xf32>
    tpu.vector_store %arg12[%swap3A, %swap3A_87], %select_n3A {strides = array<i32>} : memref<1000x128xf32, #tpu.memory_space<vmem>>, vector<1000x128xf32>,
    %max3A_89 = arith.constant 0.000000e+00 : f32
    %max3A_90 = vector.broadcast %max3A_89 : f32 to vector<1000x128xf32>
    %max3A_91 = arith.maximumf %select_n3A, %max3A_90 : vector<1000x128xf32>
    %swap3A_92 = arith.constant 0 : index
    %swap3A_93 = arith.constant 0 : index
    %swap3A_94 = vector.load %arg13[%swap3A_92, %swap3A_93] : memref<1000x128xf32, #tpu.memory_space<vmem>>, vector<1000x128xf32>
    tpu.vector_store %arg13[%swap3A_92, %swap3A_93], %max3A_91 {strides = array<i32>} : memref<1000x128xf32, #tpu.memory_space<vmem>>, vector<1000x128xf32>,
    return
  }
  func.func @transform_0(%arg0: i32) -> (i32, i32, i32) {
    %c0_i32 = arith.constant 0 : i32
    %c0_i32_0 = arith.constant 0 : i32
    %c0_i32_1 = arith.constant 0 : i32
    return %c0_i32, %arg0, %c0_i32_0 : i32, i32, i32
  }
  func.func @transform_1(%arg0: i32) -> (i32, i32, i32) {
    %c1_i32 = arith.constant 1 : i32
    %c0_i32 = arith.constant 0 : i32
    %c0_i32_0 = arith.constant 0 : i32
    return %c1_i32, %arg0, %c0_i32 : i32, i32, i32
  }
  func.func @transform_2(%arg0: i32) -> (i32, i32, i32) {
    %c0_i32 = arith.constant 0 : i32
    %c0_i32_0 = arith.constant 0 : i32
    %c0_i32_1 = arith.constant 0 : i32
    return %c0_i32, %arg0, %c0_i32_0 : i32, i32, i32
  }
  func.func @transform_3(%arg0: i32) -> (i32, i32, i32) {
    %c1_i32 = arith.constant 1 : i32
    %c0_i32 = arith.constant 0 : i32
    %c0_i32_0 = arith.constant 0 : i32
    return %c1_i32, %arg0, %c0_i32 : i32, i32, i32
  }
  func.func @transform_4(%arg0: i32) -> (i32, i32) {
    %c0_i32 = arith.constant 0 : i32
    %c0_i32_0 = arith.constant 0 : i32
    return %arg0, %c0_i32 : i32, i32
  }
  func.func @transform_5(%arg0: i32) -> (i32, i32) {
    %c0_i32 = arith.constant 0 : i32
    %c0_i32_0 = arith.constant 0 : i32
    %c0_i32_1 = arith.constant 0 : i32
    return %c0_i32, %c0_i32_0 : i32, i32
  }
  func.func @transform_6(%arg0: i32) -> (i32, i32) {
    %c0_i32 = arith.constant 0 : i32
    %c0_i32_0 = arith.constant 0 : i32
    %c0_i32_1 = arith.constant 0 : i32
    return %c0_i32, %c0_i32_0 : i32, i32
  }
  func.func @transform_7(%arg0: i32) -> (i32, i32) {
    %c0_i32 = arith.constant 0 : i32
    %c0_i32_0 = arith.constant 0 : i32
    %c0_i32_1 = arith.constant 0 : i32
    return %c0_i32, %c0_i32_0 : i32, i32
  }
  func.func @transform_8(%arg0: i32) -> (i32, i32) {
    %c0_i32 = arith.constant 0 : i32
    %c0_i32_0 = arith.constant 0 : i32
    %c0_i32_1 = arith.constant 0 : i32
    return %c0_i32, %c0_i32_0 : i32, i32
  }
  func.func @transform_9(%arg0: i32) -> (i32, i32) {
    %c0_i32 = arith.constant 0 : i32
    %c0_i32_0 = arith.constant 0 : i32
    %c0_i32_1 = arith.constant 0 : i32
    return %c0_i32, %c0_i32_0 : i32, i32
  }
  func.func @transform_10(%arg0: i32) -> (i32, i32) {
    %c0_i32 = arith.constant 0 : i32
    %c0_i32_0 = arith.constant 0 : i32
    %c0_i32_1 = arith.constant 0 : i32
    return %c0_i32, %c0_i32_0 : i32, i32
  }
  func.func @transform_11(%arg0: i32) -> (i32, i32) {
    %c0_i32 = arith.constant 0 : i32
    %c0_i32_0 = arith.constant 0 : i32
    return %arg0, %c0_i32 : i32, i32
  }
  func.func @transform_12(%arg0: i32) -> (i32, i32) {
    %c0_i32 = arith.constant 0 : i32
    %c0_i32_0 = arith.constant 0 : i32
    return %arg0, %c0_i32 : i32, i32
  }
}

module attributes {stable_mosaic.version = 14 : i64} {
  func.func @body(%arg0: i32, %arg1: memref<1x1000x128xf32, #tpu.memory_space<vmem>>, %arg2: memref<1x1000x128xf32, #tpu.memory_space<vmem>>, %arg3: memref<1x1000x128xf32, #tpu.memory_space<vmem>>, %arg4: memref<1x1000x128xf32, #tpu.memory_space<vmem>>, %arg5: memref<1000x128xf32, #tpu.memory_space<vmem>>, %arg6: memref<128x256xf32, #tpu.memory_space<vmem>>, %arg7: memref<1x256xf32, #tpu.memory_space<vmem>>, %arg8: memref<1x256xf32, #tpu.memory_space<vmem>>, %arg9: memref<1x256xf32, #tpu.memory_space<vmem>>, %arg10: memref<256x128xf32, #tpu.memory_space<vmem>>, %arg11: memref<1x128xf32, #tpu.memory_space<vmem>>, %arg12: memref<1000x128xf32, #tpu.memory_space<vmem>>) attributes {dimension_semantics = [#tpu.dimension_semantics<arbitrary>], iteration_bounds = array<i64: 10>, scalar_prefetch = 0 : i64, scratch_operands = 0 : i64, tpu.core_type = #tpu.core_type<tc>, window_params = [{transform_indices = @transform_0, window_bounds = array<i64: 1, 1000, 128>}, {transform_indices = @transform_1, window_bounds = array<i64: 1, 1000, 128>}, {transform_indices = @transform_2, window_bounds = array<i64: 1, 1000, 128>}, {transform_indices = @transform_3, window_bounds = array<i64: 1, 1000, 128>}, {transform_indices = @transform_4, window_bounds = array<i64: 1000, 128>}, {pipeline_mode = #tpu.pipeline_mode<synchronous>, transform_indices = @transform_5, window_bounds = array<i64: 128, 256>}, {pipeline_mode = #tpu.pipeline_mode<synchronous>, transform_indices = @transform_6, window_bounds = array<i64: 1, 256>}, {pipeline_mode = #tpu.pipeline_mode<synchronous>, transform_indices = @transform_7, window_bounds = array<i64: 1, 256>}, {pipeline_mode = #tpu.pipeline_mode<synchronous>, transform_indices = @transform_8, window_bounds = array<i64: 1, 256>}, {pipeline_mode = #tpu.pipeline_mode<synchronous>, transform_indices = @transform_9, window_bounds = array<i64: 256, 128>}, {pipeline_mode = #tpu.pipeline_mode<synchronous>, transform_indices = @transform_10, window_bounds = array<i64: 1, 128>}, {transform_indices = @transform_11, window_bounds = array<i64: 1000, 128>}]} {
    %get3A = arith.constant 0 : index
    %get3A_0 = arith.constant 0 : index
    %get3A_1 = arith.constant 0 : index
    %get3A_2 = vector.load %arg1[%get3A, %get3A_0, %get3A_1] : memref<1x1000x128xf32, #tpu.memory_space<vmem>>, vector<1x1000x128xf32>
    %get3A_3 = vector.shape_cast %get3A_2 : vector<1x1000x128xf32> to vector<1000x128xf32>
    %get3A_4 = arith.constant 0 : index
    %get3A_5 = arith.constant 0 : index
    %get3A_6 = arith.constant 0 : index
    %get3A_7 = vector.load %arg2[%get3A_4, %get3A_5, %get3A_6] : memref<1x1000x128xf32, #tpu.memory_space<vmem>>, vector<1x1000x128xf32>
    %get3A_8 = vector.shape_cast %get3A_7 : vector<1x1000x128xf32> to vector<1000x128xf32>
    %add3A = arith.addf %get3A_3, %get3A_8 : vector<1000x128xf32>
    %get3A_9 = arith.constant 0 : index
    %get3A_10 = arith.constant 0 : index
    %get3A_11 = arith.constant 0 : index
    %get3A_12 = vector.load %arg3[%get3A_9, %get3A_10, %get3A_11] : memref<1x1000x128xf32, #tpu.memory_space<vmem>>, vector<1x1000x128xf32>
    %get3A_13 = vector.shape_cast %get3A_12 : vector<1x1000x128xf32> to vector<1000x128xf32>
    %get3A_14 = arith.constant 0 : index
    %get3A_15 = arith.constant 0 : index
    %get3A_16 = arith.constant 0 : index
    %get3A_17 = vector.load %arg4[%get3A_14, %get3A_15, %get3A_16] : memref<1x1000x128xf32, #tpu.memory_space<vmem>>, vector<1x1000x128xf32>
    %get3A_18 = vector.shape_cast %get3A_17 : vector<1x1000x128xf32> to vector<1000x128xf32>
    %add3A_19 = arith.addf %get3A_13, %get3A_18 : vector<1000x128xf32>
    %max3A = arith.constant 1.000000e+00 : f32
    %max3A_20 = vector.broadcast %max3A : f32 to vector<1000x128xf32>
    %max3A_21 = arith.maximumf %add3A_19, %max3A_20 : vector<1000x128xf32>
    %div3A = arith.constant 1.000000e+00 : f32
    %div3A_22 = vector.broadcast %div3A : f32 to vector<1000x128xf32>
    %div3A_23 = arith.divf %div3A_22, %max3A_21 : vector<1000x128xf32>
    %mul3A = arith.constant 1.000000e-07 : f32
    %mul3A_24 = vector.broadcast %mul3A : f32 to vector<1000x128xf32>
    %mul3A_25 = arith.mulf %mul3A_24, %add3A_19 : vector<1000x128xf32>
    %add3A_26 = arith.addf %add3A, %mul3A_25 : vector<1000x128xf32>
    %mul3A_27 = arith.mulf %add3A_26, %div3A_23 : vector<1000x128xf32>
    %get3A_28 = arith.constant 0 : index
    %get3A_29 = arith.constant 0 : index
    %get3A_30 = vector.load %arg5[%get3A_28, %get3A_29] : memref<1000x128xf32, #tpu.memory_space<vmem>>, vector<1000x128xf32>
    %add3A_31 = arith.addf %mul3A_27, %get3A_30 : vector<1000x128xf32>
    %get3A_32 = arith.constant 0 : index
    %get3A_33 = arith.constant 0 : index
    %get3A_34 = vector.load %arg6[%get3A_32, %get3A_33] : memref<128x256xf32, #tpu.memory_space<vmem>>, vector<128x256xf32>
    %dot_general3A = arith.constant dense<0.000000e+00> : vector<1000x256xf32>
    %dot_general3A_35 = tpu.matmul %add3A_31, %get3A_34, %dot_general3A {dimension_numbers = #tpu.dot_dimension_numbers<[1], [0], [0], [1], [0, 0, 1, 1], [], []>, transpose_lhs_hint = false} : vector<1000x128xf32>, vector<128x256xf32>, vector<1000x256xf32> -> vector<1000x256xf32>
    %get3A_36 = arith.constant 0 : index
    %get3A_37 = arith.constant 0 : index
    %get3A_38 = vector.load %arg7[%get3A_36, %get3A_37] : memref<1x256xf32, #tpu.memory_space<vmem>>, vector<1x256xf32>
    %add3A_39 = vector.broadcast %get3A_38 : vector<1x256xf32> to vector<1000x256xf32>
    %add3A_40 = arith.addf %dot_general3A_35, %add3A_39 : vector<1000x256xf32>
    %reduce_sum3A = arith.constant dense<0.000000e+00> : vector<1000xf32>
    %reduce_sum3A_41 = vector.multi_reduction <add>, %add3A_40, %reduce_sum3A [1] : vector<1000x256xf32> to vector<1000xf32>
    %broadcast_in_dim3A = vector.shape_cast %reduce_sum3A_41 : vector<1000xf32> to vector<1000x1xf32>
    %div3A_42 = arith.constant 2.560000e+02 : f32
    %div3A_43 = vector.broadcast %div3A_42 : f32 to vector<1000x1xf32>
    %div3A_44 = arith.divf %broadcast_in_dim3A, %div3A_43 : vector<1000x1xf32>
    %sub3A = vector.broadcast %div3A_44 : vector<1000x1xf32> to vector<1000x256xf32>
    %sub3A_45 = arith.subf %add3A_40, %sub3A : vector<1000x256xf32>
    %integer_pow3A = arith.mulf %sub3A_45, %sub3A_45 : vector<1000x256xf32>
    %reduce_sum3A_46 = arith.constant dense<0.000000e+00> : vector<1000xf32>
    %reduce_sum3A_47 = vector.multi_reduction <add>, %integer_pow3A, %reduce_sum3A_46 [1] : vector<1000x256xf32> to vector<1000xf32>
    %broadcast_in_dim3A_48 = vector.shape_cast %reduce_sum3A_47 : vector<1000xf32> to vector<1000x1xf32>
    %div3A_49 = arith.constant 2.560000e+02 : f32
    %div3A_50 = vector.broadcast %div3A_49 : f32 to vector<1000x1xf32>
    %div3A_51 = arith.divf %broadcast_in_dim3A_48, %div3A_50 : vector<1000x1xf32>
    %sub3A_52 = vector.broadcast %div3A_44 : vector<1000x1xf32> to vector<1000x256xf32>
    %sub3A_53 = arith.subf %add3A_40, %sub3A_52 : vector<1000x256xf32>
    %add3A_54 = arith.constant 9.99999974E-6 : f32
    %add3A_55 = vector.broadcast %add3A_54 : f32 to vector<1000x1xf32>
    %add3A_56 = arith.addf %div3A_51, %add3A_55 : vector<1000x1xf32>
    %rsqrt3A = math.rsqrt %add3A_56 : vector<1000x1xf32>
    %mul3A_57 = vector.broadcast %rsqrt3A : vector<1000x1xf32> to vector<1000x256xf32>
    %mul3A_58 = arith.mulf %sub3A_53, %mul3A_57 : vector<1000x256xf32>
    %get3A_59 = arith.constant 0 : index
    %get3A_60 = arith.constant 0 : index
    %get3A_61 = vector.load %arg8[%get3A_59, %get3A_60] : memref<1x256xf32, #tpu.memory_space<vmem>>, vector<1x256xf32>
    %mul3A_62 = vector.broadcast %get3A_61 : vector<1x256xf32> to vector<1000x256xf32>
    %mul3A_63 = arith.mulf %mul3A_58, %mul3A_62 : vector<1000x256xf32>
    %get3A_64 = arith.constant 0 : index
    %get3A_65 = arith.constant 0 : index
    %get3A_66 = vector.load %arg9[%get3A_64, %get3A_65] : memref<1x256xf32, #tpu.memory_space<vmem>>, vector<1x256xf32>
    %add3A_67 = vector.broadcast %get3A_66 : vector<1x256xf32> to vector<1000x256xf32>
    %add3A_68 = arith.addf %mul3A_63, %add3A_67 : vector<1000x256xf32>
    %max3A_69 = arith.constant 0.000000e+00 : f32
    %max3A_70 = vector.broadcast %max3A_69 : f32 to vector<1000x256xf32>
    %max3A_71 = arith.maximumf %add3A_68, %max3A_70 : vector<1000x256xf32>
    %get3A_72 = arith.constant 0 : index
    %get3A_73 = arith.constant 0 : index
    %get3A_74 = vector.load %arg10[%get3A_72, %get3A_73] : memref<256x128xf32, #tpu.memory_space<vmem>>, vector<256x128xf32>
    %dot_general3A_75 = arith.constant dense<0.000000e+00> : vector<1000x128xf32>
    %dot_general3A_76 = tpu.matmul %max3A_71, %get3A_74, %dot_general3A_75 {dimension_numbers = #tpu.dot_dimension_numbers<[1], [0], [0], [1], [0, 0, 1, 1], [], []>, transpose_lhs_hint = false} : vector<1000x256xf32>, vector<256x128xf32>, vector<1000x128xf32> -> vector<1000x128xf32>
    %get3A_77 = arith.constant 0 : index
    %get3A_78 = arith.constant 0 : index
    %get3A_79 = vector.load %arg11[%get3A_77, %get3A_78] : memref<1x128xf32, #tpu.memory_space<vmem>>, vector<1x128xf32>
    %add3A_80 = vector.broadcast %get3A_79 : vector<1x128xf32> to vector<1000x128xf32>
    %add3A_81 = arith.addf %dot_general3A_76, %add3A_80 : vector<1000x128xf32>
    %swap3A = arith.constant 0 : index
    %swap3A_82 = arith.constant 0 : index
    %swap3A_83 = vector.load %arg12[%swap3A, %swap3A_82] : memref<1000x128xf32, #tpu.memory_space<vmem>>, vector<1000x128xf32>
    tpu.vector_store %arg12[%swap3A, %swap3A_82], %add3A_81 {strides = array<i32>} : memref<1000x128xf32, #tpu.memory_space<vmem>>, vector<1000x128xf32>,
    return
  }
  func.func @transform_0(%arg0: i32) -> (i32, i32, i32) {
    %c0_i32 = arith.constant 0 : i32
    %c0_i32_0 = arith.constant 0 : i32
    %c0_i32_1 = arith.constant 0 : i32
    return %c0_i32, %arg0, %c0_i32_0 : i32, i32, i32
  }
  func.func @transform_1(%arg0: i32) -> (i32, i32, i32) {
    %c1_i32 = arith.constant 1 : i32
    %c0_i32 = arith.constant 0 : i32
    %c0_i32_0 = arith.constant 0 : i32
    return %c1_i32, %arg0, %c0_i32 : i32, i32, i32
  }
  func.func @transform_2(%arg0: i32) -> (i32, i32, i32) {
    %c0_i32 = arith.constant 0 : i32
    %c0_i32_0 = arith.constant 0 : i32
    %c0_i32_1 = arith.constant 0 : i32
    return %c0_i32, %arg0, %c0_i32_0 : i32, i32, i32
  }
  func.func @transform_3(%arg0: i32) -> (i32, i32, i32) {
    %c1_i32 = arith.constant 1 : i32
    %c0_i32 = arith.constant 0 : i32
    %c0_i32_0 = arith.constant 0 : i32
    return %c1_i32, %arg0, %c0_i32 : i32, i32, i32
  }
  func.func @transform_4(%arg0: i32) -> (i32, i32) {
    %c0_i32 = arith.constant 0 : i32
    %c0_i32_0 = arith.constant 0 : i32
    return %arg0, %c0_i32 : i32, i32
  }
  func.func @transform_5(%arg0: i32) -> (i32, i32) {
    %c0_i32 = arith.constant 0 : i32
    %c0_i32_0 = arith.constant 0 : i32
    %c0_i32_1 = arith.constant 0 : i32
    return %c0_i32, %c0_i32_0 : i32, i32
  }
  func.func @transform_6(%arg0: i32) -> (i32, i32) {
    %c0_i32 = arith.constant 0 : i32
    %c0_i32_0 = arith.constant 0 : i32
    %c0_i32_1 = arith.constant 0 : i32
    return %c0_i32, %c0_i32_0 : i32, i32
  }
  func.func @transform_7(%arg0: i32) -> (i32, i32) {
    %c0_i32 = arith.constant 0 : i32
    %c0_i32_0 = arith.constant 0 : i32
    %c0_i32_1 = arith.constant 0 : i32
    return %c0_i32, %c0_i32_0 : i32, i32
  }
  func.func @transform_8(%arg0: i32) -> (i32, i32) {
    %c0_i32 = arith.constant 0 : i32
    %c0_i32_0 = arith.constant 0 : i32
    %c0_i32_1 = arith.constant 0 : i32
    return %c0_i32, %c0_i32_0 : i32, i32
  }
  func.func @transform_9(%arg0: i32) -> (i32, i32) {
    %c0_i32 = arith.constant 0 : i32
    %c0_i32_0 = arith.constant 0 : i32
    %c0_i32_1 = arith.constant 0 : i32
    return %c0_i32, %c0_i32_0 : i32, i32
  }
  func.func @transform_10(%arg0: i32) -> (i32, i32) {
    %c0_i32 = arith.constant 0 : i32
    %c0_i32_0 = arith.constant 0 : i32
    %c0_i32_1 = arith.constant 0 : i32
    return %c0_i32, %c0_i32_0 : i32, i32
  }
  func.func @transform_11(%arg0: i32) -> (i32, i32) {
    %c0_i32 = arith.constant 0 : i32
    %c0_i32_0 = arith.constant 0 : i32
    return %arg0, %c0_i32 : i32, i32
  }
}

</mosaic_0001>

<sc_bundles>
// kernel: kernel.10.cloned.1.call-start
scs
__scs_entry_jumppad:
0x0: {  	(pc) =	sbr.rel $0x88, $3  }
0x1: {  	(tag) =	ssettag $0x0;
	lr =	simm.s32 $0x1  }
0x2: {  	[smem:$0x3F8D] =	sst lr;
	_ =	strace $0xD0000000  }
0x3: {  	_ = 	snop  }
0x4: {  	_ = 	snop  }
0x5: {  	_ = 	snop  }
0x6: {  	_ = 	snop  }
0x7: {  	_ = 	snop  }
__scs_overlays_trampoline_lowered:
0x8: {  	[smem:$0x3F9C] =	sst s0  }
0x9: {  	[smem:$0x3F9D] =	sst s1  }
0xa: {  	[smem:$0x3F9E] =	sst s2  }
0xb: {  	[smem:$0x3F9F] =	sst s3  }
0xc: {  	[smem:$0x3FA0] =	sst s4  }
0xd: {  	[smem:$0x3FA1] =	sst s5  }
0xe: {  	[smem:$0x3FA2] =	sst s6  }
0xf: {  	[smem:$0x3FA3] =	sst s7  }
0x10: {  	[smem:$0x3FA4] =	sst s8  }
0x11: {  	[smem:$0x3FA5] =	sst s9;
	s0 =	simm.s32 @!p0 $0x0  }
0x12: {  	s1 =	sld [smem:$0x3F8B];
	s0 =	simm.s32 @p0 $0x1  }
0x13: {  	[smem:$0x3FA6] =	sst s0;
	s0 =	simm.s32 @!p1 $0x0  }
0x14: {  	s2 =	sld [smem:$0x3F8A];
	s0 =	simm.s32 @p1 $0x1  }
0x15: {  	[smem:$0x3FA7] =	sst s0;
	s0 =	simm.s32 @!p2 $0x0  }
0x16: {  	s3 =	sld [smem:$0x3FDB];
	s0 =	simm.s32 @p2 $0x1  }
0x17: {  	s4 =	simm.s32 $0x1BF5;
	[smem:$0x3FA9] =	sst s0  }
0x18: {  	s0 =	sld [smem:$0x3F8C];
	_ =	swait.ge [sflag:s4], $0x0  }
0x19: {  	s7 =	sld [smem:$0x3F8D]  }
0x1a: {  	s8 =	sadd.s32 $0xFFFFE003, lr  }
0x1b: {  	s9 =	sadd.s32 $0xFFFFFEF7, lr;
	s5 =	simm.s32 $0xFFFFFFFF;
	p2 =	slt.u32 s8, $0xFFFFF086  }
0x1c: {  	p1 =	slt.u32 s9, $0xF7A;
	s5 =	simm.s32 @!p2 $0x0  }
0x1d: {  	s5 =	simm.s32 @p1 $0x1;
	p0 =	seq.s32 s7, s2  }
0x1e: {  	s7 =	smul.u32 @!p0 $0xF7A, s2;
	p2 =	seq.s32 @!p0 s5, $0x0  }
0x1f: {  	s9 =	smul.u32 $0xF7A, s1;
	s8 =	simm.s32 @!p0 $0x1BF5;
	p2 =	por !p2, p0  }
0x20: {  	[sflag:s8] =	ssyncset.s32 @!p0 $0xFFFFF086;
	s6 =	sadd.s32 @!p0 s3, s7;
	s7 =	simm.s32 @!p0 $0x108  }
0x21: {  	s3 =	sadd.s32 s3, s9;
	s6 =	sadd.s32 @!p0 $0x88, s6;
	s7 =	simm.s32 @p2 $0x1082  }
0x22: {  	[simem:s7], [sflag:s8] =	dma.local @!p0 [hbm:s6], $0xF7A  }
0x23: {  	s9 =	sor.u32 $0xD0000000, s2;
	s6 =	simm.s32 $0x108;
	_ =	swait.ge @!p0 [sflag:s8], $0x0  }
0x24: {  	s3 =	sadd.s32 $0x88, s3;
	s6 =	simm.s32 @!p1 $0x1082;
	[sflag:s4] =	ssyncset.s32 $0xFFFFF086  }
0x25: {  	[simem:s6], [sflag:s4] =	dma.local [hbm:s3], $0xF7A  }
0x26: {  	[smem:$0x3F8D] =	sst s1;
	(tag) =	ssettag s2;
	_ =	strace s9  }
0x27: {  	s1 =	sld [smem:$0x3F9D]  }
0x28: {  	s2 =	sld [smem:$0x3F9E]  }
0x29: {  	s4 =	sld [smem:$0x3FA0]  }
0x2a: {  	p0 =	seq.s32 s5, $0x0;
	s5 =	sld [smem:$0x3FA1]  }
0x2b: {  	s6 =	sld [smem:$0x3FA2]  }
0x2c: {  	s7 =	sld [smem:$0x3FA3]  }
0x2d: {  	s3 =	simm.s32 $0x108;
	s8 =	sld [smem:$0x3FA4]  }
0x2e: {  	s3 =	simm.s32 @!p0 $0x1082;
	s9 =	sld [smem:$0x3FA5]  }
0x2f: {  	lr =	sadd.s32 s0, s3;
	s0 =	sld [smem:$0x3F9C]  }
0x30: {  	s3 =	sld [smem:$0x3F9F]  }
0x31: {  	[smem:$0x3FA8] =	sst s10  }
0x32: {  	s10 =	sld [smem:$0x3FA6];
	_ =	sdelay $0x3  }
0x33: {  	p0 =	seq.s32 s10, $0x1;
	s10 =	sld [smem:$0x3FA8];
	_ =	sdelay $0x3  }
0x34: {  	[smem:$0x3FA8] =	sst s10  }
0x35: {  	s10 =	sld [smem:$0x3FA7];
	_ =	sdelay $0x3  }
0x36: {  	p1 =	seq.s32 s10, $0x1;
	s10 =	sld [smem:$0x3FA8];
	_ =	sdelay $0x3  }
0x37: {  	[smem:$0x3FA8] =	sst s10  }
0x38: {  	s10 =	sld [smem:$0x3FA9]  }
0x39: {  	_ = 	snop;
	(pc) =	sbr.ind lr, $3  }
0x3a: {  	_ = 	snop  }
0x3b: {  	_ = 	snop  }
0x3c: {  	p2 =	seq.s32 s10, $0x1;
	s10 =	sld [smem:$0x3FA8]  }
0x3d: {  	_ =	shalt  }
0x3e: {  	_ =	shalt  }
0x3f: {  	_ =	shalt  }
0x40: {  	_ =	shalt  }
0x41: {  	_ =	shalt  }
0x42: {  	_ =	shalt  }
0x43: {  	_ =	shalt  }
0x44: {  	_ =	shalt  }
0x45: {  	_ =	shalt  }
0x46: {  	_ =	shalt  }
0x47: {  	_ =	shalt  }
0x48: {  	_ =	shalt  }
0x49: {  	_ =	shalt  }
0x4a: {  	_ =	shalt  }
0x4b: {  	_ =	shalt  }
0x4c: {  	_ =	shalt  }
0x4d: {  	_ =	shalt  }
0x4e: {  	_ =	shalt  }
0x4f: {  	_ =	shalt  }
0x50: {  	_ =	shalt  }
0x51: {  	_ =	shalt  }
0x52: {  	_ =	shalt  }
0x53: {  	_ =	shalt  }
0x54: {  	_ =	shalt  }
0x55: {  	_ =	shalt  }
0x56: {  	_ =	shalt  }
0x57: {  	_ =	shalt  }
0x58: {  	_ =	shalt  }
0x59: {  	_ =	shalt  }
0x5a: {  	_ =	shalt  }
0x5b: {  	_ =	shalt  }
0x5c: {  	_ =	shalt  }
0x5d: {  	_ =	shalt  }
0x5e: {  	_ =	shalt  }
0x5f: {  	_ =	shalt  }
0x60: {  	_ =	shalt  }
0x61: {  	_ =	shalt  }
0x62: {  	_ =	shalt  }
0x63: {  	_ =	shalt  }
0x64: {  	_ =	shalt  }
0x65: {  	_ =	shalt  }
0x66: {  	_ =	shalt  }
0x67: {  	_ =	shalt  }
0x68: {  	_ =	shalt  }
0x69: {  	_ =	shalt  }
0x6a: {  	_ =	shalt  }
0x6b: {  	_ =	shalt  }
0x6c: {  	_ =	shalt  }
0x6d: {  	_ =	shalt  }
0x6e: {  	_ =	shalt  }
0x6f: {  	_ =	shalt  }
0x70: {  	_ =	shalt  }
0x71: {  	_ =	shalt  }
0x72: {  	_ =	shalt  }
0x73: {  	_ =	shalt  }
0x74: {  	_ =	shalt  }
0x75: {  	_ =	shalt  }
0x76: {  	_ =	shalt  }
0x77: {  	_ =	shalt  }
0x78: {  	_ =	shalt  }
0x79: {  	_ =	shalt  }
0x7a: {  	_ =	shalt  }
0x7b: {  	_ =	shalt  }
0x7c: {  	_ =	shalt  }
0x7d: {  	_ =	shalt  }
0x7e: {  	_ =	shalt  }
0x7f: {  	_ =	shalt  }
0x80: {  	_ =	shalt  }
0x81: {  	_ =	shalt  }
0x82: {  	_ =	shalt  }
0x83: {  	_ =	shalt  }
0x84: {  	_ =	shalt  }
0x85: {  	_ =	shalt  }
0x86: {  	_ =	shalt  }
0x87: {  	_ =	shalt  }
.Lfunc_end0:
.L_simem_size_0:
called_computation_lowered:
.L_overlay_start_0:
0x88: {  	s2 =	sld [smem:$0x3FD9]  }
0x89: {  	s3 =	sld [smem:$0x3FFE];
	_ =	sdelay $0x1  }
0x8a: {  	s1 =	srdreg.scid  }
0x8b: {  	s0 =	sand.u32 $0x1, s1  }
0x8c: {  	s17 =	sshll.u32 s0, $0xA;
	s2 =	sadd.s32 s3, s2  }
0x8d: {  	s2 =	sadd.s32 s2, s17  }
0x8e: {  	[smem:$0x3FB4] =	sst s2  }
0x8f: {  	_ = 	snop  }
0x90: {  	(tm) =	ssettm $0x1  }
0x91: {  	s18 =	sld [smem:$0x3FFB];
	_ =	sdelay $0x3  }
0x92: {  	_ =	strace s18  }
0x93: {  	s2 =	sld [smem:$0x3FFC];
	_ =	sdelay $0x3  }
0x94: {  	_ =	strace s2  }
0x95: {  	s2 =	sld [smem:$0x3FFD];
	_ =	sdelay $0x3  }
0x96: {  	_ =	strace s2  }
0x97: {  	_ =	strace $0x8FFFFFFF  }
0x98: {  	s19 =	sld [smem:$0x3FDB];
	_ =	sdelay $0x1  }
0x99: {  	s20 =	simm.s32 $_scs_section_size  }
0x9a: {  	s4 =	simm.s32 $_size__tile_overlayer_lowered;
	s5 =	simm.s32 $_tile_overlayer_lowered  }
0x9b: {  	s6 =	simm.s32 $0x1BFF;
	s21 =	sshll.u32 s5, $0x1;
	s3 =	sadd.s32 s20, s19  }
0x9c: {  	s22 =	simm.s32 $0x0;
	s4 =	sshll.u32 s4, $0x1;
	s5 =	sadd.s32 s21, s3  }
0x9d: {  	[timem:s22], [sflag:s6] =	dma.local [hbm:s5], s4  }
0x9e: {  	_ =	swait.ge [sflag:s6], s4  }
0x9f: {  	s4 =	ssub.s32 $0x0, s4;
	[sflag:s6] =	ssyncset.done $0x0  }
0xa0: {  	[sflag:s6] =	ssyncadd.s32 s4;
	_ =	sdelay $0x1  }
0xa1: {  	s23 =	simm.s32 $0x1B8B  }
0xa2: {  	_ =	swait.ge [sflag:s23], $0x1  }
0xa3: {  	[sflag:s23] =	ssyncset.done $0x0  }
0xa4: {  	[sflag:s23] =	ssyncadd.s32 $0xFFFFFFFF  }
0xa5: {  	s4 =	sld [smem:$0x0]  }
0xa6: {  	s5 =	sand.u32 $0xFFFFFFFE, s1  }
0xa7: {  	p0 =	sne.s32 s1, s5  }
0xa8: {  	s5 =	sshll.u32 @p0 s5, $0xE  }
0xa9: {  	s5 =	sadd.s32 @p0 $0x11B8D, s5;
	s6 =	sshll.u32 @p0 s4, $0x11  }
0xaa: {  	s5 =	sor.u32 @p0 s6, s5  }
0xab: {  	[sflag:s5] =	ssyncadd.remote.s32 @p0 $0x1;
	_ =	sdelay $0x1  }
0xac: {  	s5 =	simm.s32 @p0 $0x1B8D  }
0xad: {  	_ =	swait.eq @p0 [sflag:s5], $0x1  }
0xae: {  	[sflag:s5] =	ssyncadd.s32 @p0 $0xFFFFFFFF  }
0xaf: {  	s6 =	sshll.u32 @!p0 s1, $0xE  }
0xb0: {  	s6 =	sor.u32 @!p0 $0x4000, s6;
	s5 =	simm.s32 @!p0 $0x1B8D  }
0xb1: {  	s4 =	sshll.u32 @!p0 s4, $0x11;
	s6 =	sadd.s32 @!p0 $0x11B8D, s6;
	_ =	swait.eq @!p0 [sflag:s5], $0x1  }
0xb2: {  	s4 =	sor.u32 @!p0 s4, s6;
	[sflag:s5] =	ssyncadd.s32 @!p0 $0xFFFFFFFF  }
0xb3: {  	s25 =	simm.s32 $0x1B8E;
	s24 =	sld [smem:$0x3FFE];
	[sflag:s4] =	ssyncadd.remote.s32 @!p0 $0x1  }
0xb4: {  	s26 =	simm.s32 $execute0_lowered;
	[smem:$0x3FD2] =	sst s25  }
0xb5: {  	s5 =	sshll.u32 s26, $0x1;
	_ =	strace $0x80000049;
	[dreg:$0x1] =	wrdreg $0xFFFFFFFF  }
0xb6: {  	s28 =	simm.s32 $_size_execute0_lowered;
	s3 =	sadd.s32 s3, s5;
	[dreg:$0x0] =	wrdreg $0x0  }
0xb7: {  	s5 =	sshll.u32 s28, $0x1;
	[dreg:$0x2] =	wrdreg s3  }
0xb8: {  	[dreg:$0x3] =	wrdreg s5  }
0xb9: {  	[dreg:$0x4] =	wrdreg $0xC0  }
0xba: {  	_ =	task [dreg:s22], $0x5FFFF  }
0xbb: {  	[dreg:$0x1] =	wrdreg $0xFFFFFFFF  }
0xbc: {  	[dreg:$0x0] =	wrdreg $0x60  }
0xbd: {  	[dreg:$0x2] =	wrdreg s24  }
0xbe: {  	[dreg:$0x3] =	wrdreg $0x68000  }
0xbf: {  	[dreg:$0x4] =	wrdreg $0x9  }
0xc0: {  	_ =	task.clear_ibuf [dreg:s22], $0x5FFFF;
	_ =	strace $0x90000049  }
0xc1: {  	s29 =	simm.s32 $0x9;
	_ =	strace $0x8000004B  }
0xc2: {  	_ =	swait.ge [sflag:s29], $0x1  }
0xc3: {  	[sflag:s29] =	ssyncadd.s32 $0xFFFFFFFF  }
0xc4: {  	_ =	strace $0x9000004B  }
0xc5: {  	_ =	sfence  }
0xc6: {  	s30 =	sld [smem:$0x0];
	_ =	sdelay $0x2  }
0xc7: {  	s31 =	sshll.u32 s1, $0xD;
	s1 =	sshrl.u32 s1, $0x2  }
0xc8: {  	s4 =	sand.u32 $0x4000, s31;
	s1 =	sadd.s32 s1, s30  }
0xc9: {  	s0 =	sor.u32 s4, s0;
	s1 =	sshll.u32 s1, $0x11  }
0xca: {  	s0 =	sor.u32 s1, s0  }
0xcb: {  	s0 =	sadd.s32 $0x8F2B, s0  }
0xcc: {  	[sflag:s0] =	ssyncadd.remote.s32 $0x1  }
0xcd: {  	_ =	sfence.sel $0xFFFF  }
0xce: {  	[dreg:$0x0] =	wrdreg $0xFFFFFFFF;
	(pc) =	sbr.abs _section_cstart, $3  }
0xcf: {  	[dreg:$0x1] =	wrdreg $0xFFFFFFFF  }
0xd0: {  	_ =	task.clear_ibuf [dreg:s22], $0x2FFFF;
	_ =	strace $0x9FFFFFFF  }
0xd1: {  	(tm) =	ssettm $0x7FFFFFFF  }
tec
execute0_lowered:
.L_overlay_start_1:
0x0: {  	(tag) =	ssettag $0x1  }
0x1: {  	s0 =	srdreg.scid;
	s5 =	rddreg [dreg:$0x0]  }
0x2: {  	s2 =	rddreg [dreg:$0x1];
	s3 =	simm.s32 $0x0;
	s12 =	simm.s32 $0x1  }
0x3: {  	s13 =	simm.s32 $0x2800;
	s14 =	simm.s32 $0x80;
	s4 =	sand.u32 $0x1, s0  }
0x4: {  	s17 =	simm.s32 $0x0;
	s0 =	stileid.u32;
	s7 =	smul.u32 $0x140000, s4  }
0x5: {  	[smem:$0x7FF] =	sst s3;
	s1 =	sshll.u32 s4, $0x4;
	s8 =	smul.u32 $0x14000, s0  }
0x6: {  	s9 =	smul.u32 $0x50000, s0;
	s29 =	ssub.s32 $0x2, s4;
	s15 =	sshll.u32 s0, $0x6  }
0x7: {  	s1 =	sor.u32 s0, s1;
	s31 =	sshrl.u32 s29, $0x1;
	s15 =	sor.u32 $0x1C01, s15  }
0x8: {  	s6 =	smul.u32 $0x500, s1;
	s1 =	rddreg [dreg:$0x2];
	_ =	strace $0x8000004A  }
0x9: {  	s7 =	sadd.s32 s8, s7;
	s30 =	sshrl.u32 s9, $0x2;
	s11 =	ssub.s32 s29, s31  }
0xa: {  	s7 =	sshrl.u32 s7, $0x3;
	s4 =	sadd.s32 s30, s2;
	s11 =	smax.u32 s11, $0x1  }
0xb: {  	s6 =	sadd.s32 s6, s5;
	s10 =	sadd.s32 s7, s5;
	s7 =	sadd.s32 $0x8000, s4  }
0xc: {  	s8 =	sadd.s32 $0xC000, s4;
	s9 =	sadd.s32 $0x10000, s4;
	s16 =	sshrl.u32 s4, $0x3  }
0xd: {  	v0 =	vimm.f32 $0.0e+00;
	v1 =	vimm.f32 $1.000000000e+00;
	s5 =	sadd.s32 $0x4000, s6;
	s6 =	sadd.s32 $0x4000, s4;
	s10 =	sadd.s32 $0x68000, s10  }
.LBB2_1:
0xe: {  	[tilespmem:s3], [sflag:$0x1] =	stream.linear.gather [hbm4b:s5+s3], $0x2780, $0x38;
	[tilespmem:$0x1A800] =	vst v63  }
0xf: {  	_ =	swait.ge [sflag:s12], $0x2780  }
0x10: {  	[sflag:s12] =	ssyncset.done $0x0  }
0x11: {  	s18 =	simm.s32 $0x0;
	s19 =	simm.s32 $0x200;
	[sflag:s12] =	ssyncadd.s32 $0xFFFFD880  }
.LBB2_2:
0x12: {  	p0 =	sne.s32 s19, $0xFE00;
	[tilespmem:s18+$0x2870] =	vst v0  }
0x13: {  	[tilespmem:s18+$0x2800] =	vst v0  }
0x14: {  	[tilespmem:s18+$0x2810] =	vst v0  }
.Ltmp0:
0x15: {  	[tilespmem:s18+$0x2820] =	vst v0;
	(pc) =	sbr.rel @p0 .LBB2_2-.Ltmp0, $4  }
0x16: {  	[tilespmem:s18+$0x2830] =	vst v0  }
0x17: {  	[tilespmem:s18+$0x2840] =	vst v0  }
0x18: {  	[tilespmem:s18+$0x2850] =	vst v0  }
0x19: {  	[tilespmem:s18+$0x2860] =	vst v0;
	s18 =	sshra.s32 s19, $0x2;
	s19 =	sadd.s32 $0x200, s19  }
0x1a: {  	[tilespmem:s18+$0x2870] =	vst v0  }
0x1b: {  	[tilespmem:s18+$0x2800] =	vst v0  }
0x1c: {  	[tilespmem:s18+$0x2810] =	vst v0  }
0x1d: {  	[tilespmem:s18+$0x2820] =	vst v0  }
0x1e: {  	[tilespmem:s18+$0x2830] =	vst v0  }
0x1f: {  	[tilespmem:s18+$0x2840] =	vst v0  }
0x20: {  	[tilespmem:s18+$0x2850] =	vst v0  }
0x21: {  	[tilespmem:s18+$0x2860] =	vst v0  }
0x22: {  	[spmem:s4] =	stream.linear.scatter [tilespmem:s13], [sflag:$0x1], $0x4000, $0x38;
	[tilespmem:$0x1A800] =	vst v63  }
0x23: {  	_ =	swait.ge [sflag:s12], $0x4000  }
0x24: {  	[sflag:s12] =	ssyncset.done $0x0  }
0x25: {  	[sflag:s12] =	ssyncadd.s32 $0xFFFFC000  }
0x26: {  	[spmem:s6] =	stream.linear.scatter [tilespmem:s13], [sflag:$0x1], $0x4000, $0x38;
	[tilespmem:$0x1A800] =	vst v63  }
0x27: {  	_ =	swait.ge [sflag:s12], $0x4000  }
0x28: {  	[sflag:s12] =	ssyncset.done $0x0  }
0x29: {  	[sflag:s12] =	ssyncadd.s32 $0xFFFFC000  }
0x2a: {  	[spmem:s7] =	stream.linear.scatter [tilespmem:s13], [sflag:$0x1], $0x4000, $0x38;
	[tilespmem:$0x1A800] =	vst v63  }
0x2b: {  	_ =	swait.ge [sflag:s12], $0x4000  }
0x2c: {  	[sflag:s12] =	ssyncset.done $0x0  }
0x2d: {  	[sflag:s12] =	ssyncadd.s32 $0xFFFFC000  }
0x2e: {  	[spmem:s8] =	stream.linear.scatter [tilespmem:s13], [sflag:$0x1], $0x4000, $0x38;
	[tilespmem:$0x1A800] =	vst v63  }
0x2f: {  	_ =	swait.ge [sflag:s12], $0x4000  }
0x30: {  	[sflag:s12] =	ssyncset.done $0x0  }
0x31: {  	[sflag:s12] =	ssyncadd.s32 $0xFFFFC000  }
0x32: {  	[spmem:s9] =	stream.linear.scatter [tilespmem:s13], [sflag:$0x1], $0x4000, $0x38;
	[tilespmem:$0x1A800] =	vst v63  }
0x33: {  	_ =	swait.ge [sflag:s12], $0x4000  }
0x34: {  	[sflag:s12] =	ssyncset.done $0x0  }
0x35: {  	[sflag:s12] =	ssyncadd.s32 $0xFFFFC000  }
0x36: {  	s18 =	simm.s32 $0x0;
	s19 =	simm.s32 $0x200;
	[bflag:$0x0] =	sbarrier.arrive $0xFFFF  }
.LBB2_4:
0x37: {  	p0 =	sne.s32 s19, $0xFE00;
	[tilespmem:s18+$0x2870] =	vst v1  }
0x38: {  	[tilespmem:s18+$0x2800] =	vst v1  }
0x39: {  	[tilespmem:s18+$0x2810] =	vst v1  }
.Ltmp1:
0x3a: {  	[tilespmem:s18+$0x2820] =	vst v1;
	(pc) =	sbr.rel @p0 .LBB2_4-.Ltmp1, $4  }
0x3b: {  	[tilespmem:s18+$0x2830] =	vst v1  }
0x3c: {  	[tilespmem:s18+$0x2840] =	vst v1  }
0x3d: {  	[tilespmem:s18+$0x2850] =	vst v1  }
0x3e: {  	[tilespmem:s18+$0x2860] =	vst v1;
	s18 =	sshra.s32 s19, $0x2;
	s19 =	sadd.s32 $0x200, s19  }
0x3f: {  	[tilespmem:s18+$0x2870] =	vst v1  }
0x40: {  	[tilespmem:s18+$0x2800] =	vst v1  }
0x41: {  	[tilespmem:s18+$0x2810] =	vst v1  }
0x42: {  	[tilespmem:s18+$0x2820] =	vst v1  }
0x43: {  	[tilespmem:s18+$0x2830] =	vst v1  }
0x44: {  	[tilespmem:s18+$0x2840] =	vst v1  }
0x45: {  	[tilespmem:s18+$0x2850] =	vst v1  }
0x46: {  	[tilespmem:s18+$0x2860] =	vst v1;
	s31 =	simm.s32 $0x0  }
0x47: {  	[spmem:s2] =	stream.indirect.scatter.add.f32 [tilespmem:s13], [sflag:$0x1], $0x80, s31, s14, $0xb8;
	[tilespmem:$0x1A800] =	vst v63  }
0x48: {  	_ =	swait.ge [sflag:s12], $0x4000  }
0x49: {  	s18 =	simm.s32 $0x200;
	[sflag:s12] =	ssyncset.done $0x0  }
.LBB2_6:
0x4a: {  	s19 =	sshra.s32 s18, $0x2;
	[sflag:s12] =	ssyncadd.s32 $0xFFFFC000;
	p0 =	sne.s32 s18, $0x9C00  }
0x4b: {  	[spmem:s2] =	stream.indirect.scatter.add.f32 [tilespmem:s13], [sflag:$0x1], $0x80, s19, s14, $0xb8;
	[tilespmem:$0x1A800] =	vst v63  }
.Ltmp2:
0x4c: {  	_ = 	snop;
	(pc) =	sbr.rel @p0 .LBB2_6-.Ltmp2, $4  }
0x4d: {  	_ = 	snop  }
0x4e: {  	s18 =	sadd.s32 $0x200, s18  }
0x4f: {  	_ =	swait.ge [sflag:s12], $0x4000  }
0x50: {  	[sflag:s12] =	ssyncset.done $0x0  }
0x51: {  	s17 =	sadd.s32 $0x1, s17  }
0x52: {  	[sflag:s12] =	ssyncadd.s32 $0xFFFFC000;
	p0 =	sne.s32 s17, s11  }
.Ltmp3:
0x53: {  	[bflag:$0x0] =	sbarrier.arrive $0xFFFF;
	(pc) =	sbr.rel @p0 .LBB2_1-.Ltmp3, $4  }
0x54: {  	[hbm:s10], [sflag:s15] =	dma.local [spmem:s16], $0x2800  }
0x55: {  	_ =	swait.ge [sflag:s12], $0x2800  }
0x56: {  	[sflag:s12] =	ssyncset.done $0x0  }
0x57: {  	[sflag:s12] =	ssyncadd.s32 $0xFFFFD800  }
0x58: {  	_ =	sfence.sel $0x180000  }
0x59: {  	[bflag:$0x0] =	sbarrier.arrive $0xFFFF  }
0x5a: {  	p0 =	sne.s32 s0, $0x0;
	_ =	strace $0x9000004A  }
0x5b: {  	s0 =	sadd.s32 @!p0 $0x100000, s1;
	[bflag:$0x2] =	sbarrier.arrive $0xFFFF  }
0x5c: {  	[sflag:s0] =	ssyncadd.tile.s32 @!p0 $0x1;
	_ =	shalt  }
.Lfunc_end2:
_tile_overlayer_lowered:
.L_overlay_start_2:
0x5d: {  	(tag) =	ssettag $0x2  }
0x5e: {  	s0 =	rddreg [dreg:$0x0];
	s2 =	stileid.u32  }
0x5f: {  	s1 =	rddreg [dreg:$0x1];
	p0 =	sne.s32 s2, $0x0  }
0x60: {  	s3 =	rddreg [dreg:$0x2];
	[bflag:$0x3] =	sbarrier.arrive $0xFFFF;
	s2 =	simm.s32 @!p0 $0x1C01  }
0x61: {  	[timem:s3], [sflag:s2] =	dma.local @!p0 [hbm:s0], s1  }
0x62: {  	s0 =	simm.s32 @!p0 $0x1  }
0x63: {  	_ =	swait.ge @!p0 [sflag:s0], s1  }
0x64: {  	s1 =	ssub.s32 @!p0 $0x0, s1;
	[sflag:s0] =	ssyncset.done @!p0 $0x0  }
0x65: {  	[sflag:s0] =	ssyncadd.s32 @!p0 s1  }
0x66: {  	[bflag:$0x3] =	sbarrier.arrive $0xFFFF  }
0x67: {  	_ =	shalt  }

// kernel: kernel.13.cloned.1.call-start
scs
__scs_entry_jumppad:
0x0: {  	(pc) =	sbr.rel $0x88, $3  }
0x1: {  	(tag) =	ssettag $0x0;
	lr =	simm.s32 $0x1  }
0x2: {  	[smem:$0x3F8D] =	sst lr;
	_ =	strace $0xD0000000  }
0x3: {  	_ = 	snop  }
0x4: {  	_ = 	snop  }
0x5: {  	_ = 	snop  }
0x6: {  	_ = 	snop  }
0x7: {  	_ = 	snop  }
__scs_overlays_trampoline_lowered:
0x8: {  	[smem:$0x3F9C] =	sst s0  }
0x9: {  	[smem:$0x3F9D] =	sst s1  }
0xa: {  	[smem:$0x3F9E] =	sst s2  }
0xb: {  	[smem:$0x3F9F] =	sst s3  }
0xc: {  	[smem:$0x3FA0] =	sst s4  }
0xd: {  	[smem:$0x3FA1] =	sst s5  }
0xe: {  	[smem:$0x3FA2] =	sst s6  }
0xf: {  	[smem:$0x3FA3] =	sst s7  }
0x10: {  	[smem:$0x3FA4] =	sst s8  }
0x11: {  	[smem:$0x3FA5] =	sst s9;
	s0 =	simm.s32 @!p0 $0x0  }
0x12: {  	s1 =	sld [smem:$0x3F8B];
	s0 =	simm.s32 @p0 $0x1  }
0x13: {  	[smem:$0x3FA6] =	sst s0;
	s0 =	simm.s32 @!p1 $0x0  }
0x14: {  	s2 =	sld [smem:$0x3F8A];
	s0 =	simm.s32 @p1 $0x1  }
0x15: {  	[smem:$0x3FA7] =	sst s0;
	s0 =	simm.s32 @!p2 $0x0  }
0x16: {  	s3 =	sld [smem:$0x3FDB];
	s0 =	simm.s32 @p2 $0x1  }
0x17: {  	s4 =	simm.s32 $0x1BF5;
	[smem:$0x3FA9] =	sst s0  }
0x18: {  	s0 =	sld [smem:$0x3F8C];
	_ =	swait.ge [sflag:s4], $0x0  }
0x19: {  	s7 =	sld [smem:$0x3F8D]  }
0x1a: {  	s8 =	sadd.s32 $0xFFFFE003, lr  }
0x1b: {  	s9 =	sadd.s32 $0xFFFFFEF7, lr;
	s5 =	simm.s32 $0xFFFFFFFF;
	p2 =	slt.u32 s8, $0xFFFFF086  }
0x1c: {  	p1 =	slt.u32 s9, $0xF7A;
	s5 =	simm.s32 @!p2 $0x0  }
0x1d: {  	s5 =	simm.s32 @p1 $0x1;
	p0 =	seq.s32 s7, s2  }
0x1e: {  	s7 =	smul.u32 @!p0 $0xF7A, s2;
	p2 =	seq.s32 @!p0 s5, $0x0  }
0x1f: {  	s9 =	smul.u32 $0xF7A, s1;
	s8 =	simm.s32 @!p0 $0x1BF5;
	p2 =	por !p2, p0  }
0x20: {  	[sflag:s8] =	ssyncset.s32 @!p0 $0xFFFFF086;
	s6 =	sadd.s32 @!p0 s3, s7;
	s7 =	simm.s32 @!p0 $0x108  }
0x21: {  	s3 =	sadd.s32 s3, s9;
	s6 =	sadd.s32 @!p0 $0x88, s6;
	s7 =	simm.s32 @p2 $0x1082  }
0x22: {  	[simem:s7], [sflag:s8] =	dma.local @!p0 [hbm:s6], $0xF7A  }
0x23: {  	s9 =	sor.u32 $0xD0000000, s2;
	s6 =	simm.s32 $0x108;
	_ =	swait.ge @!p0 [sflag:s8], $0x0  }
0x24: {  	s3 =	sadd.s32 $0x88, s3;
	s6 =	simm.s32 @!p1 $0x1082;
	[sflag:s4] =	ssyncset.s32 $0xFFFFF086  }
0x25: {  	[simem:s6], [sflag:s4] =	dma.local [hbm:s3], $0xF7A  }
0x26: {  	[smem:$0x3F8D] =	sst s1;
	(tag) =	ssettag s2;
	_ =	strace s9  }
0x27: {  	s1 =	sld [smem:$0x3F9D]  }
0x28: {  	s2 =	sld [smem:$0x3F9E]  }
0x29: {  	s4 =	sld [smem:$0x3FA0]  }
0x2a: {  	p0 =	seq.s32 s5, $0x0;
	s5 =	sld [smem:$0x3FA1]  }
0x2b: {  	s6 =	sld [smem:$0x3FA2]  }
0x2c: {  	s7 =	sld [smem:$0x3FA3]  }
0x2d: {  	s3 =	simm.s32 $0x108;
	s8 =	sld [smem:$0x3FA4]  }
0x2e: {  	s3 =	simm.s32 @!p0 $0x1082;
	s9 =	sld [smem:$0x3FA5]  }
0x2f: {  	lr =	sadd.s32 s0, s3;
	s0 =	sld [smem:$0x3F9C]  }
0x30: {  	s3 =	sld [smem:$0x3F9F]  }
0x31: {  	[smem:$0x3FA8] =	sst s10  }
0x32: {  	s10 =	sld [smem:$0x3FA6];
	_ =	sdelay $0x3  }
0x33: {  	p0 =	seq.s32 s10, $0x1;
	s10 =	sld [smem:$0x3FA8];
	_ =	sdelay $0x3  }
0x34: {  	[smem:$0x3FA8] =	sst s10  }
0x35: {  	s10 =	sld [smem:$0x3FA7];
	_ =	sdelay $0x3  }
0x36: {  	p1 =	seq.s32 s10, $0x1;
	s10 =	sld [smem:$0x3FA8];
	_ =	sdelay $0x3  }
0x37: {  	[smem:$0x3FA8] =	sst s10  }
0x38: {  	s10 =	sld [smem:$0x3FA9]  }
0x39: {  	_ = 	snop;
	(pc) =	sbr.ind lr, $3  }
0x3a: {  	_ = 	snop  }
0x3b: {  	_ = 	snop  }
0x3c: {  	p2 =	seq.s32 s10, $0x1;
	s10 =	sld [smem:$0x3FA8]  }
0x3d: {  	_ =	shalt  }
0x3e: {  	_ =	shalt  }
0x3f: {  	_ =	shalt  }
0x40: {  	_ =	shalt  }
0x41: {  	_ =	shalt  }
0x42: {  	_ =	shalt  }
0x43: {  	_ =	shalt  }
0x44: {  	_ =	shalt  }
0x45: {  	_ =	shalt  }
0x46: {  	_ =	shalt  }
0x47: {  	_ =	shalt  }
0x48: {  	_ =	shalt  }
0x49: {  	_ =	shalt  }
0x4a: {  	_ =	shalt  }
0x4b: {  	_ =	shalt  }
0x4c: {  	_ =	shalt  }
0x4d: {  	_ =	shalt  }
0x4e: {  	_ =	shalt  }
0x4f: {  	_ =	shalt  }
0x50: {  	_ =	shalt  }
0x51: {  	_ =	shalt  }
0x52: {  	_ =	shalt  }
0x53: {  	_ =	shalt  }
0x54: {  	_ =	shalt  }
0x55: {  	_ =	shalt  }
0x56: {  	_ =	shalt  }
0x57: {  	_ =	shalt  }
0x58: {  	_ =	shalt  }
0x59: {  	_ =	shalt  }
0x5a: {  	_ =	shalt  }
0x5b: {  	_ =	shalt  }
0x5c: {  	_ =	shalt  }
0x5d: {  	_ =	shalt  }
0x5e: {  	_ =	shalt  }
0x5f: {  	_ =	shalt  }
0x60: {  	_ =	shalt  }
0x61: {  	_ =	shalt  }
0x62: {  	_ =	shalt  }
0x63: {  	_ =	shalt  }
0x64: {  	_ =	shalt  }
0x65: {  	_ =	shalt  }
0x66: {  	_ =	shalt  }
0x67: {  	_ =	shalt  }
0x68: {  	_ =	shalt  }
0x69: {  	_ =	shalt  }
0x6a: {  	_ =	shalt  }
0x6b: {  	_ =	shalt  }
0x6c: {  	_ =	shalt  }
0x6d: {  	_ =	shalt  }
0x6e: {  	_ =	shalt  }
0x6f: {  	_ =	shalt  }
0x70: {  	_ =	shalt  }
0x71: {  	_ =	shalt  }
0x72: {  	_ =	shalt  }
0x73: {  	_ =	shalt  }
0x74: {  	_ =	shalt  }
0x75: {  	_ =	shalt  }
0x76: {  	_ =	shalt  }
0x77: {  	_ =	shalt  }
0x78: {  	_ =	shalt  }
0x79: {  	_ =	shalt  }
0x7a: {  	_ =	shalt  }
0x7b: {  	_ =	shalt  }
0x7c: {  	_ =	shalt  }
0x7d: {  	_ =	shalt  }
0x7e: {  	_ =	shalt  }
0x7f: {  	_ =	shalt  }
0x80: {  	_ =	shalt  }
0x81: {  	_ =	shalt  }
0x82: {  	_ =	shalt  }
0x83: {  	_ =	shalt  }
0x84: {  	_ =	shalt  }
0x85: {  	_ =	shalt  }
0x86: {  	_ =	shalt  }
0x87: {  	_ =	shalt  }
.Lfunc_end0:
.L_simem_size_0:
called_computation.1_lowered:
.L_overlay_start_0:
0x88: {  	s2 =	sld [smem:$0x3FD9]  }
0x89: {  	s3 =	sld [smem:$0x3FFE];
	_ =	sdelay $0x1  }
0x8a: {  	s1 =	srdreg.scid  }
0x8b: {  	s0 =	sand.u32 $0x1, s1  }
0x8c: {  	s17 =	sshll.u32 s0, $0xA;
	s2 =	sadd.s32 s3, s2  }
0x8d: {  	s2 =	sadd.s32 s2, s17  }
0x8e: {  	[smem:$0x3FB4] =	sst s2  }
0x8f: {  	_ = 	snop  }
0x90: {  	s2 =	sld [smem:$0x3FD0];
	(tm) =	ssettm $0x1  }
0x91: {  	s18 =	sld [smem:$0x3FFB];
	_ =	sdelay $0x3  }
0x92: {  	_ =	strace s18  }
0x93: {  	s3 =	sld [smem:$0x3FFC];
	_ =	sdelay $0x3  }
0x94: {  	_ =	strace s3  }
0x95: {  	s3 =	sld [smem:$0x3FFD];
	_ =	sdelay $0x3  }
0x96: {  	_ =	strace s3  }
0x97: {  	_ =	strace $0x8FFFFFFF  }
0x98: {  	s19 =	sld [smem:$0x3FDB];
	_ =	sdelay $0x1  }
0x99: {  	s4 =	simm.s32 $_scs_section_size  }
0x9a: {  	s5 =	simm.s32 $_size__tile_overlayer_lowered;
	s6 =	simm.s32 $_tile_overlayer_lowered  }
0x9b: {  	s22 =	simm.s32 $0x1BFF;
	s21 =	sshll.u32 s6, $0x1;
	s3 =	sadd.s32 s4, s19  }
0x9c: {  	s7 =	simm.s32 $0x0;
	s20 =	sshll.u32 s5, $0x1;
	s5 =	sadd.s32 s21, s3  }
0x9d: {  	[timem:s7], [sflag:s22] =	dma.local [hbm:s5], s20  }
0x9e: {  	_ =	swait.ge [sflag:s22], s20  }
0x9f: {  	s4 =	ssub.s32 $0x0, s20;
	[sflag:s22] =	ssyncset.done $0x0  }
0xa0: {  	[sflag:s22] =	ssyncadd.s32 s4;
	_ =	sdelay $0x1  }
0xa1: {  	s23 =	simm.s32 $0x1B8B  }
0xa2: {  	_ =	swait.ge [sflag:s23], $0x1  }
0xa3: {  	[sflag:s23] =	ssyncset.done $0x0  }
0xa4: {  	s25 =	simm.s32 $0x1B8E;
	s24 =	sld [smem:$0x3FFE];
	[sflag:s23] =	ssyncadd.s32 $0xFFFFFFFF  }
0xa5: {  	s26 =	simm.s32 $execute0_lowered;
	[smem:$0x3FD2] =	sst s25  }
0xa6: {  	s5 =	sshll.u32 s26, $0x1;
	_ =	strace $0x80000046;
	[dreg:$0x1] =	wrdreg $0xFFFFFFFF  }
0xa7: {  	s28 =	simm.s32 $_size_execute0_lowered;
	s3 =	sadd.s32 s3, s5;
	[dreg:$0x0] =	wrdreg $0x0  }
0xa8: {  	s5 =	sshll.u32 s28, $0x1;
	[dreg:$0x2] =	wrdreg s3  }
0xa9: {  	[dreg:$0x3] =	wrdreg s5  }
0xaa: {  	[dreg:$0x4] =	wrdreg $0xC0  }
0xab: {  	_ =	task [dreg:s7], $0x5FFFF  }
0xac: {  	[dreg:$0x1] =	wrdreg $0xFFFFFFFF  }
0xad: {  	[dreg:$0x0] =	wrdreg $0x60  }
0xae: {  	[dreg:$0x2] =	wrdreg s2  }
0xaf: {  	[dreg:$0x3] =	wrdreg s24  }
0xb0: {  	[dreg:$0x4] =	wrdreg $0x90000  }
0xb1: {  	[dreg:$0x5] =	wrdreg $0xA  }
0xb2: {  	_ =	task.clear_ibuf [dreg:s7], $0x6FFFF;
	_ =	strace $0x90000046  }
0xb3: {  	s29 =	simm.s32 $0xA;
	_ =	strace $0x80000048  }
0xb4: {  	_ =	swait.ge [sflag:s29], $0x1  }
0xb5: {  	[sflag:s29] =	ssyncadd.s32 $0xFFFFFFFF  }
0xb6: {  	_ =	strace $0x90000048  }
0xb7: {  	_ =	sfence  }
0xb8: {  	s30 =	sld [smem:$0x0];
	_ =	sdelay $0x2  }
0xb9: {  	s31 =	sshll.u32 s1, $0xD;
	s1 =	sshrl.u32 s1, $0x2  }
0xba: {  	s3 =	sand.u32 $0x4000, s31;
	s1 =	sadd.s32 s1, s30  }
0xbb: {  	s0 =	sor.u32 s3, s0;
	s1 =	sshll.u32 s1, $0x11  }
0xbc: {  	s0 =	sor.u32 s1, s0  }
0xbd: {  	s0 =	sadd.s32 $0x8F2B, s0  }
0xbe: {  	[sflag:s0] =	ssyncadd.remote.s32 $0x1  }
0xbf: {  	_ =	sfence.sel $0xFFFF  }
0xc0: {  	[dreg:$0x0] =	wrdreg $0xFFFFFFFF;
	(pc) =	sbr.abs _section_cstart, $3  }
0xc1: {  	[dreg:$0x1] =	wrdreg $0xFFFFFFFF  }
0xc2: {  	_ =	task.clear_ibuf [dreg:s7], $0x2FFFF;
	_ =	strace $0x9FFFFFFF  }
0xc3: {  	(tm) =	ssettm $0x7FFFFFFF  }
tec
execute0_lowered:
.L_overlay_start_1:
0x0: {  	(tag) =	ssettag $0x1  }
0x1: {  	s1 =	rddreg [dreg:$0x0]  }
0x2: {  	s5 =	rddreg [dreg:$0x1]  }
0x3: {  	s2 =	rddreg [dreg:$0x2]  }
0x4: {  	s3 =	srdreg.scid;
	s0 =	rddreg [dreg:$0x3];
	s4 =	simm.s32 $0x0  }
0x5: {  	s14 =	simm.s32 $0x2;
	s15 =	simm.s32 $0x2800;
	s16 =	simm.s32 $0x5000  }
0x6: {  	s17 =	simm.s32 $0x80;
	s18 =	simm.s32 $0x1;
	s6 =	sand.u32 $0x1, s3  }
0x7: {  	s21 =	simm.s32 $0x0;
	s3 =	stileid.u32;
	s8 =	smul.u32 $0x140000, s6  }
0x8: {  	[smem:$0x7FF] =	sst s4;
	s7 =	sshll.u32 s6, $0x4;
	s9 =	smul.u32 $0x14000, s3  }
0x9: {  	_ =	strace $0x80000047;
	s6 =	ssub.s32 $0x2, s6;
	s30 =	smul.u32 $0x50000, s3  }
0xa: {  	s19 =	sshll.u32 s3, $0x6;
	s7 =	sor.u32 s3, s7;
	s10 =	sshrl.u32 s6, $0x1  }
0xb: {  	s19 =	sor.u32 $0x1C02, s19;
	s7 =	smul.u32 $0x500, s7;
	s8 =	sadd.s32 s9, s8  }
0xc: {  	s13 =	ssub.s32 s6, s10;
	s31 =	sshrl.u32 s30, $0x2;
	s8 =	sshrl.u32 s8, $0x3  }
0xd: {  	s13 =	smax.u32 s13, $0x1;
	s7 =	sadd.s32 s7, s5;
	s12 =	sadd.s32 s8, s5  }
0xe: {  	s5 =	sadd.s32 $0xE000, s7;
	s6 =	sadd.s32 $0x4000, s7;
	s7 =	sadd.s32 s31, s2  }
0xf: {  	s12 =	sadd.s32 $0x18000, s12;
	s8 =	sadd.s32 $0x4000, s7;
	s9 =	sadd.s32 $0x8000, s7  }
0x10: {  	v0 =	vimm.f32 $0.0e+00;
	s10 =	sadd.s32 $0xC000, s7;
	s11 =	sadd.s32 $0x10000, s7;
	s20 =	sshrl.u32 s7, $0x3  }
.LBB2_1:
0x11: {  	[tilespmem:s4], [sflag:$0x2] =	stream.linear.gather [hbm4b:s5+s4], $0x2780, $0x38;
	[tilespmem:$0x1D000] =	vst v63  }
0x12: {  	_ =	swait.ge [sflag:s14], $0x2780  }
0x13: {  	[sflag:s14] =	ssyncset.done $0x0  }
0x14: {  	[sflag:s14] =	ssyncadd.s32 $0xFFFFD880  }
0x15: {  	[tilespmem:s15], [sflag:$0x2] =	stream.linear.gather [hbm4b:s6+s4], $0x2780, $0x38;
	[tilespmem:$0x1D000] =	vst v63  }
0x16: {  	_ =	swait.ge [sflag:s14], $0x2780  }
0x17: {  	[sflag:s14] =	ssyncset.done $0x0  }
0x18: {  	s22 =	simm.s32 $0x0;
	s23 =	simm.s32 $0x200;
	[sflag:s14] =	ssyncadd.s32 $0xFFFFD880  }
.LBB2_2:
0x19: {  	p0 =	sne.s32 s23, $0xFE00;
	[tilespmem:s22+$0x5070] =	vst v0  }
0x1a: {  	[tilespmem:s22+$0x5000] =	vst v0  }
0x1b: {  	[tilespmem:s22+$0x5010] =	vst v0  }
.Ltmp0:
0x1c: {  	[tilespmem:s22+$0x5020] =	vst v0;
	(pc) =	sbr.rel @p0 .LBB2_2-.Ltmp0, $4  }
0x1d: {  	[tilespmem:s22+$0x5030] =	vst v0  }
0x1e: {  	[tilespmem:s22+$0x5040] =	vst v0  }
0x1f: {  	[tilespmem:s22+$0x5050] =	vst v0  }
0x20: {  	[tilespmem:s22+$0x5060] =	vst v0;
	s22 =	sshra.s32 s23, $0x2;
	s23 =	sadd.s32 $0x200, s23  }
0x21: {  	[tilespmem:s22+$0x5070] =	vst v0  }
0x22: {  	[tilespmem:s22+$0x5000] =	vst v0  }
0x23: {  	[tilespmem:s22+$0x5010] =	vst v0  }
0x24: {  	[tilespmem:s22+$0x5020] =	vst v0  }
0x25: {  	[tilespmem:s22+$0x5030] =	vst v0  }
0x26: {  	[tilespmem:s22+$0x5040] =	vst v0  }
0x27: {  	[tilespmem:s22+$0x5050] =	vst v0  }
0x28: {  	[tilespmem:s22+$0x5060] =	vst v0  }
0x29: {  	[spmem:s7] =	stream.linear.scatter [tilespmem:s16], [sflag:$0x2], $0x4000, $0x38;
	[tilespmem:$0x1D000] =	vst v63  }
0x2a: {  	_ =	swait.ge [sflag:s14], $0x4000  }
0x2b: {  	[sflag:s14] =	ssyncset.done $0x0  }
0x2c: {  	[sflag:s14] =	ssyncadd.s32 $0xFFFFC000  }
0x2d: {  	[spmem:s8] =	stream.linear.scatter [tilespmem:s16], [sflag:$0x2], $0x4000, $0x38;
	[tilespmem:$0x1D000] =	vst v63  }
0x2e: {  	_ =	swait.ge [sflag:s14], $0x4000  }
0x2f: {  	[sflag:s14] =	ssyncset.done $0x0  }
0x30: {  	[sflag:s14] =	ssyncadd.s32 $0xFFFFC000  }
0x31: {  	[spmem:s9] =	stream.linear.scatter [tilespmem:s16], [sflag:$0x2], $0x4000, $0x38;
	[tilespmem:$0x1D000] =	vst v63  }
0x32: {  	_ =	swait.ge [sflag:s14], $0x4000  }
0x33: {  	[sflag:s14] =	ssyncset.done $0x0  }
0x34: {  	[sflag:s14] =	ssyncadd.s32 $0xFFFFC000  }
0x35: {  	[spmem:s10] =	stream.linear.scatter [tilespmem:s16], [sflag:$0x2], $0x4000, $0x38;
	[tilespmem:$0x1D000] =	vst v63  }
0x36: {  	_ =	swait.ge [sflag:s14], $0x4000  }
0x37: {  	[sflag:s14] =	ssyncset.done $0x0  }
0x38: {  	[sflag:s14] =	ssyncadd.s32 $0xFFFFC000  }
0x39: {  	[spmem:s11] =	stream.linear.scatter [tilespmem:s16], [sflag:$0x2], $0x4000, $0x38;
	[tilespmem:$0x1D000] =	vst v63  }
0x3a: {  	_ =	swait.ge [sflag:s14], $0x4000  }
0x3b: {  	[sflag:s14] =	ssyncset.done $0x0  }
0x3c: {  	[sflag:s14] =	ssyncadd.s32 $0xFFFFC000  }
0x3d: {  	s30 =	simm.s32 $0x0;
	[bflag:$0x0] =	sbarrier.arrive $0xFFFF  }
0x3e: {  	[tilespmem:s16], [sflag:$0x1] =	stream.indirect.gather [hbm4b:s1+s17], $0x80, s30, s17, $0xb8;
	[tilespmem:$0x1D000] =	vst v63  }
0x3f: {  	_ =	swait.ge [sflag:s18], $0x4000  }
0x40: {  	[sflag:s18] =	ssyncset.done $0x0  }
0x41: {  	s31 =	simm.s32 $0x2800;
	[sflag:s18] =	ssyncadd.s32 $0xFFFFC000  }
0x42: {  	[spmem:s2] =	stream.indirect.scatter.add.f32 [tilespmem:s16], [sflag:$0x2], $0x80, s31, s17, $0xb8;
	[tilespmem:$0x1D000] =	vst v63  }
0x43: {  	_ =	swait.ge [sflag:s14], $0x4000  }
0x44: {  	s22 =	simm.s32 $0x200;
	s23 =	simm.s32 $0x400;
	[sflag:s14] =	ssyncset.done $0x0  }
.LBB2_4:
0x45: {  	s24 =	sshra.s32 s22, $0x2  }
0x46: {  	[sflag:s14] =	ssyncadd.s32 $0xFFFFC000;
	s22 =	smov.u32 s23;
	s25 =	sadd.s32 $0x200, s23  }
0x47: {  	[tilespmem:s16], [sflag:$0x1] =	stream.indirect.gather [hbm4b:s1+s17], $0x80, s24, s17, $0xb8;
	[tilespmem:$0x1D000] =	vst v63  }
0x48: {  	p0 =	sne.s32 s23, $0x9C00;
	_ =	swait.ge [sflag:s18], $0x4000  }
.Ltmp1:
0x49: {  	[sflag:s18] =	ssyncset.done $0x0;
	(pc) =	sbr.rel @p0 .LBB2_4-.Ltmp1, $4  }
0x4a: {  	s23 =	sadd.s32 $0x2800, s24;
	[sflag:s18] =	ssyncadd.s32 $0xFFFFC000  }
0x4b: {  	[spmem:s2] =	stream.indirect.scatter.add.f32 [tilespmem:s16], [sflag:$0x2], $0x80, s23, s17, $0xb8;
	[tilespmem:$0x1D000] =	vst v63  }
0x4c: {  	_ =	swait.ge [sflag:s14], $0x4000  }
0x4d: {  	s23 =	smov.u32 s25;
	[sflag:s14] =	ssyncset.done $0x0  }
0x4e: {  	s22 =	sshra.s32 s22, $0x2;
	[sflag:s14] =	ssyncadd.s32 $0xFFFFC000  }
0x4f: {  	[tilespmem:s16], [sflag:$0x1] =	stream.indirect.gather [hbm4b:s1+s17], $0x80, s22, s17, $0xb8;
	[tilespmem:$0x1D000] =	vst v63  }
0x50: {  	_ =	swait.ge [sflag:s18], $0x4000  }
0x51: {  	[sflag:s18] =	ssyncset.done $0x0  }
0x52: {  	s22 =	sadd.s32 $0x2800, s22;
	[sflag:s18] =	ssyncadd.s32 $0xFFFFC000  }
0x53: {  	[spmem:s2] =	stream.indirect.scatter.add.f32 [tilespmem:s16], [sflag:$0x2], $0x80, s22, s17, $0xb8;
	[tilespmem:$0x1D000] =	vst v63  }
0x54: {  	_ =	swait.ge [sflag:s14], $0x4000  }
0x55: {  	s21 =	sadd.s32 $0x1, s21;
	[sflag:s14] =	ssyncset.done $0x0  }
0x56: {  	p0 =	sne.s32 s21, s13;
	[sflag:s14] =	ssyncadd.s32 $0xFFFFC000  }
.Ltmp2:
0x57: {  	[bflag:$0x0] =	sbarrier.arrive $0xFFFF;
	(pc) =	sbr.rel @p0 .LBB2_1-.Ltmp2, $4  }
0x58: {  	[hbm:s12], [sflag:s19] =	dma.local [spmem:s20], $0x2800  }
0x59: {  	_ =	swait.ge [sflag:s14], $0x2800  }
0x5a: {  	[sflag:s14] =	ssyncset.done $0x0  }
0x5b: {  	[sflag:s14] =	ssyncadd.s32 $0xFFFFD800  }
0x5c: {  	_ =	sfence.sel $0x180000  }
0x5d: {  	[bflag:$0x0] =	sbarrier.arrive $0xFFFF  }
0x5e: {  	p0 =	sne.s32 s3, $0x0;
	_ =	strace $0x90000047  }
0x5f: {  	s0 =	sadd.s32 @!p0 $0x100000, s0;
	[bflag:$0x2] =	sbarrier.arrive $0xFFFF  }
0x60: {  	[sflag:s0] =	ssyncadd.tile.s32 @!p0 $0x1;
	_ =	shalt  }
.Lfunc_end2:
_tile_overlayer_lowered:
.L_overlay_start_2:
0x61: {  	(tag) =	ssettag $0x2  }
0x62: {  	s0 =	rddreg [dreg:$0x0];
	s2 =	stileid.u32  }
0x63: {  	s1 =	rddreg [dreg:$0x1];
	p0 =	sne.s32 s2, $0x0  }
0x64: {  	s3 =	rddreg [dreg:$0x2];
	[bflag:$0x3] =	sbarrier.arrive $0xFFFF;
	s2 =	simm.s32 @!p0 $0x1C02  }
0x65: {  	[timem:s3], [sflag:s2] =	dma.local @!p0 [hbm:s0], s1  }
0x66: {  	s0 =	simm.s32 @!p0 $0x2  }
0x67: {  	_ =	swait.ge @!p0 [sflag:s0], s1  }
0x68: {  	s1 =	ssub.s32 @!p0 $0x0, s1;
	[sflag:s0] =	ssyncset.done @!p0 $0x0  }
0x69: {  	[sflag:s0] =	ssyncadd.s32 @!p0 s1  }
0x6a: {  	[bflag:$0x3] =	sbarrier.arrive $0xFFFF  }
0x6b: {  	_ =	shalt  }

// kernel: kernel.16.cloned.1.call-start
scs
__scs_entry_jumppad:
0x0: {  	(pc) =	sbr.rel $0x88, $3  }
0x1: {  	(tag) =	ssettag $0x0;
	lr =	simm.s32 $0x1  }
0x2: {  	[smem:$0x3F8D] =	sst lr;
	_ =	strace $0xD0000000  }
0x3: {  	_ = 	snop  }
0x4: {  	_ = 	snop  }
0x5: {  	_ = 	snop  }
0x6: {  	_ = 	snop  }
0x7: {  	_ = 	snop  }
__scs_overlays_trampoline_lowered:
0x8: {  	[smem:$0x3F9C] =	sst s0  }
0x9: {  	[smem:$0x3F9D] =	sst s1  }
0xa: {  	[smem:$0x3F9E] =	sst s2  }
0xb: {  	[smem:$0x3F9F] =	sst s3  }
0xc: {  	[smem:$0x3FA0] =	sst s4  }
0xd: {  	[smem:$0x3FA1] =	sst s5  }
0xe: {  	[smem:$0x3FA2] =	sst s6  }
0xf: {  	[smem:$0x3FA3] =	sst s7  }
0x10: {  	[smem:$0x3FA4] =	sst s8  }
0x11: {  	[smem:$0x3FA5] =	sst s9;
	s0 =	simm.s32 @!p0 $0x0  }
0x12: {  	s1 =	sld [smem:$0x3F8B];
	s0 =	simm.s32 @p0 $0x1  }
0x13: {  	[smem:$0x3FA6] =	sst s0;
	s0 =	simm.s32 @!p1 $0x0  }
0x14: {  	s2 =	sld [smem:$0x3F8A];
	s0 =	simm.s32 @p1 $0x1  }
0x15: {  	[smem:$0x3FA7] =	sst s0;
	s0 =	simm.s32 @!p2 $0x0  }
0x16: {  	s3 =	sld [smem:$0x3FDB];
	s0 =	simm.s32 @p2 $0x1  }
0x17: {  	s4 =	simm.s32 $0x1BF5;
	[smem:$0x3FA9] =	sst s0  }
0x18: {  	s0 =	sld [smem:$0x3F8C];
	_ =	swait.ge [sflag:s4], $0x0  }
0x19: {  	s7 =	sld [smem:$0x3F8D]  }
0x1a: {  	s8 =	sadd.s32 $0xFFFFE003, lr  }
0x1b: {  	s9 =	sadd.s32 $0xFFFFFEF7, lr;
	s5 =	simm.s32 $0xFFFFFFFF;
	p2 =	slt.u32 s8, $0xFFFFF086  }
0x1c: {  	p1 =	slt.u32 s9, $0xF7A;
	s5 =	simm.s32 @!p2 $0x0  }
0x1d: {  	s5 =	simm.s32 @p1 $0x1;
	p0 =	seq.s32 s7, s2  }
0x1e: {  	s7 =	smul.u32 @!p0 $0xF7A, s2;
	p2 =	seq.s32 @!p0 s5, $0x0  }
0x1f: {  	s9 =	smul.u32 $0xF7A, s1;
	s8 =	simm.s32 @!p0 $0x1BF5;
	p2 =	por !p2, p0  }
0x20: {  	[sflag:s8] =	ssyncset.s32 @!p0 $0xFFFFF086;
	s6 =	sadd.s32 @!p0 s3, s7;
	s7 =	simm.s32 @!p0 $0x108  }
0x21: {  	s3 =	sadd.s32 s3, s9;
	s6 =	sadd.s32 @!p0 $0x88, s6;
	s7 =	simm.s32 @p2 $0x1082  }
0x22: {  	[simem:s7], [sflag:s8] =	dma.local @!p0 [hbm:s6], $0xF7A  }
0x23: {  	s9 =	sor.u32 $0xD0000000, s2;
	s6 =	simm.s32 $0x108;
	_ =	swait.ge @!p0 [sflag:s8], $0x0  }
0x24: {  	s3 =	sadd.s32 $0x88, s3;
	s6 =	simm.s32 @!p1 $0x1082;
	[sflag:s4] =	ssyncset.s32 $0xFFFFF086  }
0x25: {  	[simem:s6], [sflag:s4] =	dma.local [hbm:s3], $0xF7A  }
0x26: {  	[smem:$0x3F8D] =	sst s1;
	(tag) =	ssettag s2;
	_ =	strace s9  }
0x27: {  	s1 =	sld [smem:$0x3F9D]  }
0x28: {  	s2 =	sld [smem:$0x3F9E]  }
0x29: {  	s4 =	sld [smem:$0x3FA0]  }
0x2a: {  	p0 =	seq.s32 s5, $0x0;
	s5 =	sld [smem:$0x3FA1]  }
0x2b: {  	s6 =	sld [smem:$0x3FA2]  }
0x2c: {  	s7 =	sld [smem:$0x3FA3]  }
0x2d: {  	s3 =	simm.s32 $0x108;
	s8 =	sld [smem:$0x3FA4]  }
0x2e: {  	s3 =	simm.s32 @!p0 $0x1082;
	s9 =	sld [smem:$0x3FA5]  }
0x2f: {  	lr =	sadd.s32 s0, s3;
	s0 =	sld [smem:$0x3F9C]  }
0x30: {  	s3 =	sld [smem:$0x3F9F]  }
0x31: {  	[smem:$0x3FA8] =	sst s10  }
0x32: {  	s10 =	sld [smem:$0x3FA6];
	_ =	sdelay $0x3  }
0x33: {  	p0 =	seq.s32 s10, $0x1;
	s10 =	sld [smem:$0x3FA8];
	_ =	sdelay $0x3  }
0x34: {  	[smem:$0x3FA8] =	sst s10  }
0x35: {  	s10 =	sld [smem:$0x3FA7];
	_ =	sdelay $0x3  }
0x36: {  	p1 =	seq.s32 s10, $0x1;
	s10 =	sld [smem:$0x3FA8];
	_ =	sdelay $0x3  }
0x37: {  	[smem:$0x3FA8] =	sst s10  }
0x38: {  	s10 =	sld [smem:$0x3FA9]  }
0x39: {  	_ = 	snop;
	(pc) =	sbr.ind lr, $3  }
0x3a: {  	_ = 	snop  }
0x3b: {  	_ = 	snop  }
0x3c: {  	p2 =	seq.s32 s10, $0x1;
	s10 =	sld [smem:$0x3FA8]  }
0x3d: {  	_ =	shalt  }
0x3e: {  	_ =	shalt  }
0x3f: {  	_ =	shalt  }
0x40: {  	_ =	shalt  }
0x41: {  	_ =	shalt  }
0x42: {  	_ =	shalt  }
0x43: {  	_ =	shalt  }
0x44: {  	_ =	shalt  }
0x45: {  	_ =	shalt  }
0x46: {  	_ =	shalt  }
0x47: {  	_ =	shalt  }
0x48: {  	_ =	shalt  }
0x49: {  	_ =	shalt  }
0x4a: {  	_ =	shalt  }
0x4b: {  	_ =	shalt  }
0x4c: {  	_ =	shalt  }
0x4d: {  	_ =	shalt  }
0x4e: {  	_ =	shalt  }
0x4f: {  	_ =	shalt  }
0x50: {  	_ =	shalt  }
0x51: {  	_ =	shalt  }
0x52: {  	_ =	shalt  }
0x53: {  	_ =	shalt  }
0x54: {  	_ =	shalt  }
0x55: {  	_ =	shalt  }
0x56: {  	_ =	shalt  }
0x57: {  	_ =	shalt  }
0x58: {  	_ =	shalt  }
0x59: {  	_ =	shalt  }
0x5a: {  	_ =	shalt  }
0x5b: {  	_ =	shalt  }
0x5c: {  	_ =	shalt  }
0x5d: {  	_ =	shalt  }
0x5e: {  	_ =	shalt  }
0x5f: {  	_ =	shalt  }
0x60: {  	_ =	shalt  }
0x61: {  	_ =	shalt  }
0x62: {  	_ =	shalt  }
0x63: {  	_ =	shalt  }
0x64: {  	_ =	shalt  }
0x65: {  	_ =	shalt  }
0x66: {  	_ =	shalt  }
0x67: {  	_ =	shalt  }
0x68: {  	_ =	shalt  }
0x69: {  	_ =	shalt  }
0x6a: {  	_ =	shalt  }
0x6b: {  	_ =	shalt  }
0x6c: {  	_ =	shalt  }
0x6d: {  	_ =	shalt  }
0x6e: {  	_ =	shalt  }
0x6f: {  	_ =	shalt  }
0x70: {  	_ =	shalt  }
0x71: {  	_ =	shalt  }
0x72: {  	_ =	shalt  }
0x73: {  	_ =	shalt  }
0x74: {  	_ =	shalt  }
0x75: {  	_ =	shalt  }
0x76: {  	_ =	shalt  }
0x77: {  	_ =	shalt  }
0x78: {  	_ =	shalt  }
0x79: {  	_ =	shalt  }
0x7a: {  	_ =	shalt  }
0x7b: {  	_ =	shalt  }
0x7c: {  	_ =	shalt  }
0x7d: {  	_ =	shalt  }
0x7e: {  	_ =	shalt  }
0x7f: {  	_ =	shalt  }
0x80: {  	_ =	shalt  }
0x81: {  	_ =	shalt  }
0x82: {  	_ =	shalt  }
0x83: {  	_ =	shalt  }
0x84: {  	_ =	shalt  }
0x85: {  	_ =	shalt  }
0x86: {  	_ =	shalt  }
0x87: {  	_ =	shalt  }
.Lfunc_end0:
.L_simem_size_0:
called_computation.2_lowered:
.L_overlay_start_0:
0x88: {  	s2 =	sld [smem:$0x3FD9]  }
0x89: {  	s3 =	sld [smem:$0x3FFE];
	_ =	sdelay $0x1  }
0x8a: {  	s1 =	srdreg.scid  }
0x8b: {  	s0 =	sand.u32 $0x1, s1  }
0x8c: {  	s17 =	sshll.u32 s0, $0xA;
	s2 =	sadd.s32 s3, s2  }
0x8d: {  	s2 =	sadd.s32 s2, s17  }
0x8e: {  	[smem:$0x3FB4] =	sst s2  }
0x8f: {  	_ = 	snop  }
0x90: {  	s2 =	sld [smem:$0x3FD0];
	(tm) =	ssettm $0x1  }
0x91: {  	s18 =	sld [smem:$0x3FFB];
	_ =	sdelay $0x3  }
0x92: {  	_ =	strace s18  }
0x93: {  	s3 =	sld [smem:$0x3FFC];
	_ =	sdelay $0x3  }
0x94: {  	_ =	strace s3  }
0x95: {  	s3 =	sld [smem:$0x3FFD];
	_ =	sdelay $0x3  }
0x96: {  	_ =	strace s3  }
0x97: {  	_ =	strace $0x8FFFFFFF  }
0x98: {  	s19 =	sld [smem:$0x3FDB];
	_ =	sdelay $0x1  }
0x99: {  	s4 =	simm.s32 $_scs_section_size  }
0x9a: {  	s5 =	simm.s32 $_size__tile_overlayer_lowered;
	s6 =	simm.s32 $_tile_overlayer_lowered  }
0x9b: {  	s22 =	simm.s32 $0x1BFF;
	s21 =	sshll.u32 s6, $0x1;
	s3 =	sadd.s32 s4, s19  }
0x9c: {  	s7 =	simm.s32 $0x0;
	s20 =	sshll.u32 s5, $0x1;
	s5 =	sadd.s32 s21, s3  }
0x9d: {  	[timem:s7], [sflag:s22] =	dma.local [hbm:s5], s20  }
0x9e: {  	_ =	swait.ge [sflag:s22], s20  }
0x9f: {  	s4 =	ssub.s32 $0x0, s20;
	[sflag:s22] =	ssyncset.done $0x0  }
0xa0: {  	[sflag:s22] =	ssyncadd.s32 s4;
	_ =	sdelay $0x1  }
0xa1: {  	s23 =	simm.s32 $0x1B8B  }
0xa2: {  	_ =	swait.ge [sflag:s23], $0x1  }
0xa3: {  	[sflag:s23] =	ssyncset.done $0x0  }
0xa4: {  	s25 =	simm.s32 $0x1B8E;
	s24 =	sld [smem:$0x3FFE];
	[sflag:s23] =	ssyncadd.s32 $0xFFFFFFFF  }
0xa5: {  	s26 =	simm.s32 $execute0_lowered;
	[smem:$0x3FD2] =	sst s25  }
0xa6: {  	s5 =	sshll.u32 s26, $0x1;
	_ =	strace $0x8000004C;
	[dreg:$0x1] =	wrdreg $0xFFFFFFFF  }
0xa7: {  	s28 =	simm.s32 $_size_execute0_lowered;
	s3 =	sadd.s32 s3, s5;
	[dreg:$0x0] =	wrdreg $0x0  }
0xa8: {  	s5 =	sshll.u32 s28, $0x1;
	[dreg:$0x2] =	wrdreg s3  }
0xa9: {  	[dreg:$0x3] =	wrdreg s5  }
0xaa: {  	[dreg:$0x4] =	wrdreg $0xC0  }
0xab: {  	_ =	task [dreg:s7], $0x5FFFF  }
0xac: {  	[dreg:$0x1] =	wrdreg $0xFFFFFFFF  }
0xad: {  	[dreg:$0x0] =	wrdreg $0x60  }
0xae: {  	[dreg:$0x2] =	wrdreg s2  }
0xaf: {  	[dreg:$0x3] =	wrdreg s24  }
0xb0: {  	[dreg:$0x4] =	wrdreg $0x90000  }
0xb1: {  	[dreg:$0x5] =	wrdreg $0x9  }
0xb2: {  	_ =	task.clear_ibuf [dreg:s7], $0x6FFFF;
	_ =	strace $0x9000004C  }
0xb3: {  	s29 =	simm.s32 $0x9;
	_ =	strace $0x8000004E  }
0xb4: {  	_ =	swait.ge [sflag:s29], $0x1  }
0xb5: {  	[sflag:s29] =	ssyncadd.s32 $0xFFFFFFFF  }
0xb6: {  	_ =	strace $0x9000004E  }
0xb7: {  	_ =	sfence  }
0xb8: {  	s30 =	sld [smem:$0x0];
	_ =	sdelay $0x2  }
0xb9: {  	s31 =	sshll.u32 s1, $0xD;
	s1 =	sshrl.u32 s1, $0x2  }
0xba: {  	s3 =	sand.u32 $0x4000, s31;
	s1 =	sadd.s32 s1, s30  }
0xbb: {  	s0 =	sor.u32 s3, s0;
	s1 =	sshll.u32 s1, $0x11  }
0xbc: {  	s0 =	sor.u32 s1, s0  }
0xbd: {  	s0 =	sadd.s32 $0x8F2B, s0  }
0xbe: {  	[sflag:s0] =	ssyncadd.remote.s32 $0x1  }
0xbf: {  	_ =	sfence.sel $0xFFFF  }
0xc0: {  	[dreg:$0x0] =	wrdreg $0xFFFFFFFF;
	(pc) =	sbr.abs _section_cstart, $3  }
0xc1: {  	[dreg:$0x1] =	wrdreg $0xFFFFFFFF  }
0xc2: {  	_ =	task.clear_ibuf [dreg:s7], $0x2FFFF;
	_ =	strace $0x9FFFFFFF  }
0xc3: {  	(tm) =	ssettm $0x7FFFFFFF  }
tec
execute0_lowered:
.L_overlay_start_1:
0x0: {  	(tag) =	ssettag $0x1  }
0x1: {  	s1 =	rddreg [dreg:$0x0]  }
0x2: {  	s5 =	rddreg [dreg:$0x1]  }
0x3: {  	s2 =	rddreg [dreg:$0x2]  }
0x4: {  	s3 =	srdreg.scid;
	s0 =	rddreg [dreg:$0x3];
	s4 =	simm.s32 $0x0  }
0x5: {  	s14 =	simm.s32 $0x2;
	s15 =	simm.s32 $0x2800;
	s16 =	simm.s32 $0x5000  }
0x6: {  	s17 =	simm.s32 $0x80;
	s18 =	simm.s32 $0x1;
	s6 =	sand.u32 $0x1, s3  }
0x7: {  	s21 =	simm.s32 $0x0;
	s3 =	stileid.u32;
	s8 =	smul.u32 $0x140000, s6  }
0x8: {  	[smem:$0x7FF] =	sst s4;
	s7 =	sshll.u32 s6, $0x4;
	s9 =	smul.u32 $0x14000, s3  }
0x9: {  	_ =	strace $0x8000004D;
	s6 =	ssub.s32 $0x2, s6;
	s30 =	smul.u32 $0x50000, s3  }
0xa: {  	s19 =	sshll.u32 s3, $0x6;
	s7 =	sor.u32 s3, s7;
	s10 =	sshrl.u32 s6, $0x1  }
0xb: {  	s19 =	sor.u32 $0x1C02, s19;
	s7 =	smul.u32 $0x500, s7;
	s8 =	sadd.s32 s9, s8  }
0xc: {  	s13 =	ssub.s32 s6, s10;
	s31 =	sshrl.u32 s30, $0x2;
	s8 =	sshrl.u32 s8, $0x3  }
0xd: {  	s13 =	smax.u32 s13, $0x1;
	s7 =	sadd.s32 s7, s5;
	s12 =	sadd.s32 s8, s5  }
0xe: {  	s5 =	sadd.s32 $0xE000, s7;
	s6 =	sadd.s32 $0x4000, s7;
	s7 =	sadd.s32 s31, s2  }
0xf: {  	s12 =	sadd.s32 $0x18000, s12;
	s8 =	sadd.s32 $0x4000, s7;
	s9 =	sadd.s32 $0x8000, s7  }
0x10: {  	v0 =	vimm.f32 $0.0e+00;
	s10 =	sadd.s32 $0xC000, s7;
	s11 =	sadd.s32 $0x10000, s7;
	s20 =	sshrl.u32 s7, $0x3  }
.LBB2_1:
0x11: {  	[tilespmem:s4], [sflag:$0x2] =	stream.linear.gather [hbm4b:s5+s4], $0x2780, $0x38;
	[tilespmem:$0x1D000] =	vst v63  }
0x12: {  	_ =	swait.ge [sflag:s14], $0x2780  }
0x13: {  	[sflag:s14] =	ssyncset.done $0x0  }
0x14: {  	[sflag:s14] =	ssyncadd.s32 $0xFFFFD880  }
0x15: {  	[tilespmem:s15], [sflag:$0x2] =	stream.linear.gather [hbm4b:s6+s4], $0x2780, $0x38;
	[tilespmem:$0x1D000] =	vst v63  }
0x16: {  	_ =	swait.ge [sflag:s14], $0x2780  }
0x17: {  	[sflag:s14] =	ssyncset.done $0x0  }
0x18: {  	s22 =	simm.s32 $0x0;
	s23 =	simm.s32 $0x200;
	[sflag:s14] =	ssyncadd.s32 $0xFFFFD880  }
.LBB2_2:
0x19: {  	p0 =	sne.s32 s23, $0xFE00;
	[tilespmem:s22+$0x5070] =	vst v0  }
0x1a: {  	[tilespmem:s22+$0x5000] =	vst v0  }
0x1b: {  	[tilespmem:s22+$0x5010] =	vst v0  }
.Ltmp0:
0x1c: {  	[tilespmem:s22+$0x5020] =	vst v0;
	(pc) =	sbr.rel @p0 .LBB2_2-.Ltmp0, $4  }
0x1d: {  	[tilespmem:s22+$0x5030] =	vst v0  }
0x1e: {  	[tilespmem:s22+$0x5040] =	vst v0  }
0x1f: {  	[tilespmem:s22+$0x5050] =	vst v0  }
0x20: {  	[tilespmem:s22+$0x5060] =	vst v0;
	s22 =	sshra.s32 s23, $0x2;
	s23 =	sadd.s32 $0x200, s23  }
0x21: {  	[tilespmem:s22+$0x5070] =	vst v0  }
0x22: {  	[tilespmem:s22+$0x5000] =	vst v0  }
0x23: {  	[tilespmem:s22+$0x5010] =	vst v0  }
0x24: {  	[tilespmem:s22+$0x5020] =	vst v0  }
0x25: {  	[tilespmem:s22+$0x5030] =	vst v0  }
0x26: {  	[tilespmem:s22+$0x5040] =	vst v0  }
0x27: {  	[tilespmem:s22+$0x5050] =	vst v0  }
0x28: {  	[tilespmem:s22+$0x5060] =	vst v0  }
0x29: {  	[spmem:s7] =	stream.linear.scatter [tilespmem:s16], [sflag:$0x2], $0x4000, $0x38;
	[tilespmem:$0x1D000] =	vst v63  }
0x2a: {  	_ =	swait.ge [sflag:s14], $0x4000  }
0x2b: {  	[sflag:s14] =	ssyncset.done $0x0  }
0x2c: {  	[sflag:s14] =	ssyncadd.s32 $0xFFFFC000  }
0x2d: {  	[spmem:s8] =	stream.linear.scatter [tilespmem:s16], [sflag:$0x2], $0x4000, $0x38;
	[tilespmem:$0x1D000] =	vst v63  }
0x2e: {  	_ =	swait.ge [sflag:s14], $0x4000  }
0x2f: {  	[sflag:s14] =	ssyncset.done $0x0  }
0x30: {  	[sflag:s14] =	ssyncadd.s32 $0xFFFFC000  }
0x31: {  	[spmem:s9] =	stream.linear.scatter [tilespmem:s16], [sflag:$0x2], $0x4000, $0x38;
	[tilespmem:$0x1D000] =	vst v63  }
0x32: {  	_ =	swait.ge [sflag:s14], $0x4000  }
0x33: {  	[sflag:s14] =	ssyncset.done $0x0  }
0x34: {  	[sflag:s14] =	ssyncadd.s32 $0xFFFFC000  }
0x35: {  	[spmem:s10] =	stream.linear.scatter [tilespmem:s16], [sflag:$0x2], $0x4000, $0x38;
	[tilespmem:$0x1D000] =	vst v63  }
0x36: {  	_ =	swait.ge [sflag:s14], $0x4000  }
0x37: {  	[sflag:s14] =	ssyncset.done $0x0  }
0x38: {  	[sflag:s14] =	ssyncadd.s32 $0xFFFFC000  }
0x39: {  	[spmem:s11] =	stream.linear.scatter [tilespmem:s16], [sflag:$0x2], $0x4000, $0x38;
	[tilespmem:$0x1D000] =	vst v63  }
0x3a: {  	_ =	swait.ge [sflag:s14], $0x4000  }
0x3b: {  	[sflag:s14] =	ssyncset.done $0x0  }
0x3c: {  	[sflag:s14] =	ssyncadd.s32 $0xFFFFC000  }
0x3d: {  	s30 =	simm.s32 $0x0;
	[bflag:$0x0] =	sbarrier.arrive $0xFFFF  }
0x3e: {  	[tilespmem:s16], [sflag:$0x1] =	stream.indirect.gather [hbm4b:s1+s17], $0x80, s30, s17, $0xb8;
	[tilespmem:$0x1D000] =	vst v63  }
0x3f: {  	_ =	swait.ge [sflag:s18], $0x4000  }
0x40: {  	[sflag:s18] =	ssyncset.done $0x0  }
0x41: {  	s31 =	simm.s32 $0x2800;
	[sflag:s18] =	ssyncadd.s32 $0xFFFFC000  }
0x42: {  	[spmem:s2] =	stream.indirect.scatter.add.f32 [tilespmem:s16], [sflag:$0x2], $0x80, s31, s17, $0xb8;
	[tilespmem:$0x1D000] =	vst v63  }
0x43: {  	_ =	swait.ge [sflag:s14], $0x4000  }
0x44: {  	s22 =	simm.s32 $0x200;
	s23 =	simm.s32 $0x400;
	[sflag:s14] =	ssyncset.done $0x0  }
.LBB2_4:
0x45: {  	s24 =	sshra.s32 s22, $0x2  }
0x46: {  	[sflag:s14] =	ssyncadd.s32 $0xFFFFC000;
	s22 =	smov.u32 s23;
	s25 =	sadd.s32 $0x200, s23  }
0x47: {  	[tilespmem:s16], [sflag:$0x1] =	stream.indirect.gather [hbm4b:s1+s17], $0x80, s24, s17, $0xb8;
	[tilespmem:$0x1D000] =	vst v63  }
0x48: {  	p0 =	sne.s32 s23, $0x9C00;
	_ =	swait.ge [sflag:s18], $0x4000  }
.Ltmp1:
0x49: {  	[sflag:s18] =	ssyncset.done $0x0;
	(pc) =	sbr.rel @p0 .LBB2_4-.Ltmp1, $4  }
0x4a: {  	s23 =	sadd.s32 $0x2800, s24;
	[sflag:s18] =	ssyncadd.s32 $0xFFFFC000  }
0x4b: {  	[spmem:s2] =	stream.indirect.scatter.add.f32 [tilespmem:s16], [sflag:$0x2], $0x80, s23, s17, $0xb8;
	[tilespmem:$0x1D000] =	vst v63  }
0x4c: {  	_ =	swait.ge [sflag:s14], $0x4000  }
0x4d: {  	s23 =	smov.u32 s25;
	[sflag:s14] =	ssyncset.done $0x0  }
0x4e: {  	s22 =	sshra.s32 s22, $0x2;
	[sflag:s14] =	ssyncadd.s32 $0xFFFFC000  }
0x4f: {  	[tilespmem:s16], [sflag:$0x1] =	stream.indirect.gather [hbm4b:s1+s17], $0x80, s22, s17, $0xb8;
	[tilespmem:$0x1D000] =	vst v63  }
0x50: {  	_ =	swait.ge [sflag:s18], $0x4000  }
0x51: {  	[sflag:s18] =	ssyncset.done $0x0  }
0x52: {  	s22 =	sadd.s32 $0x2800, s22;
	[sflag:s18] =	ssyncadd.s32 $0xFFFFC000  }
0x53: {  	[spmem:s2] =	stream.indirect.scatter.add.f32 [tilespmem:s16], [sflag:$0x2], $0x80, s22, s17, $0xb8;
	[tilespmem:$0x1D000] =	vst v63  }
0x54: {  	_ =	swait.ge [sflag:s14], $0x4000  }
0x55: {  	s21 =	sadd.s32 $0x1, s21;
	[sflag:s14] =	ssyncset.done $0x0  }
0x56: {  	p0 =	sne.s32 s21, s13;
	[sflag:s14] =	ssyncadd.s32 $0xFFFFC000  }
.Ltmp2:
0x57: {  	[bflag:$0x0] =	sbarrier.arrive $0xFFFF;
	(pc) =	sbr.rel @p0 .LBB2_1-.Ltmp2, $4  }
0x58: {  	[hbm:s12], [sflag:s19] =	dma.local [spmem:s20], $0x2800  }
0x59: {  	_ =	swait.ge [sflag:s14], $0x2800  }
0x5a: {  	[sflag:s14] =	ssyncset.done $0x0  }
0x5b: {  	[sflag:s14] =	ssyncadd.s32 $0xFFFFD800  }
0x5c: {  	_ =	sfence.sel $0x180000  }
0x5d: {  	[bflag:$0x0] =	sbarrier.arrive $0xFFFF  }
0x5e: {  	p0 =	sne.s32 s3, $0x0;
	_ =	strace $0x9000004D  }
0x5f: {  	s0 =	sadd.s32 @!p0 $0x100000, s0;
	[bflag:$0x2] =	sbarrier.arrive $0xFFFF  }
0x60: {  	[sflag:s0] =	ssyncadd.tile.s32 @!p0 $0x1;
	_ =	shalt  }
.Lfunc_end2:
_tile_overlayer_lowered:
.L_overlay_start_2:
0x61: {  	(tag) =	ssettag $0x2  }
0x62: {  	s0 =	rddreg [dreg:$0x0];
	s2 =	stileid.u32  }
0x63: {  	s1 =	rddreg [dreg:$0x1];
	p0 =	sne.s32 s2, $0x0  }
0x64: {  	s3 =	rddreg [dreg:$0x2];
	[bflag:$0x3] =	sbarrier.arrive $0xFFFF;
	s2 =	simm.s32 @!p0 $0x1C02  }
0x65: {  	[timem:s3], [sflag:s2] =	dma.local @!p0 [hbm:s0], s1  }
0x66: {  	s0 =	simm.s32 @!p0 $0x2  }
0x67: {  	_ =	swait.ge @!p0 [sflag:s0], s1  }
0x68: {  	s1 =	ssub.s32 @!p0 $0x0, s1;
	[sflag:s0] =	ssyncset.done @!p0 $0x0  }
0x69: {  	[sflag:s0] =	ssyncadd.s32 @!p0 s1  }
0x6a: {  	[bflag:$0x3] =	sbarrier.arrive $0xFFFF  }
0x6b: {  	_ =	shalt  }

// kernel: kernel.19.cloned.1.call-start
scs
__scs_entry_jumppad:
0x0: {  	(pc) =	sbr.rel $0x88, $3  }
0x1: {  	(tag) =	ssettag $0x0;
	lr =	simm.s32 $0x1  }
0x2: {  	[smem:$0x3F8D] =	sst lr;
	_ =	strace $0xD0000000  }
0x3: {  	_ = 	snop  }
0x4: {  	_ = 	snop  }
0x5: {  	_ = 	snop  }
0x6: {  	_ = 	snop  }
0x7: {  	_ = 	snop  }
__scs_overlays_trampoline_lowered:
0x8: {  	[smem:$0x3F9C] =	sst s0  }
0x9: {  	[smem:$0x3F9D] =	sst s1  }
0xa: {  	[smem:$0x3F9E] =	sst s2  }
0xb: {  	[smem:$0x3F9F] =	sst s3  }
0xc: {  	[smem:$0x3FA0] =	sst s4  }
0xd: {  	[smem:$0x3FA1] =	sst s5  }
0xe: {  	[smem:$0x3FA2] =	sst s6  }
0xf: {  	[smem:$0x3FA3] =	sst s7  }
0x10: {  	[smem:$0x3FA4] =	sst s8  }
0x11: {  	[smem:$0x3FA5] =	sst s9;
	s0 =	simm.s32 @!p0 $0x0  }
0x12: {  	s1 =	sld [smem:$0x3F8B];
	s0 =	simm.s32 @p0 $0x1  }
0x13: {  	[smem:$0x3FA6] =	sst s0;
	s0 =	simm.s32 @!p1 $0x0  }
0x14: {  	s2 =	sld [smem:$0x3F8A];
	s0 =	simm.s32 @p1 $0x1  }
0x15: {  	[smem:$0x3FA7] =	sst s0;
	s0 =	simm.s32 @!p2 $0x0  }
0x16: {  	s3 =	sld [smem:$0x3FDB];
	s0 =	simm.s32 @p2 $0x1  }
0x17: {  	s4 =	simm.s32 $0x1BF5;
	[smem:$0x3FA9] =	sst s0  }
0x18: {  	s0 =	sld [smem:$0x3F8C];
	_ =	swait.ge [sflag:s4], $0x0  }
0x19: {  	s7 =	sld [smem:$0x3F8D]  }
0x1a: {  	s8 =	sadd.s32 $0xFFFFE003, lr  }
0x1b: {  	s9 =	sadd.s32 $0xFFFFFEF7, lr;
	s5 =	simm.s32 $0xFFFFFFFF;
	p2 =	slt.u32 s8, $0xFFFFF086  }
0x1c: {  	p1 =	slt.u32 s9, $0xF7A;
	s5 =	simm.s32 @!p2 $0x0  }
0x1d: {  	s5 =	simm.s32 @p1 $0x1;
	p0 =	seq.s32 s7, s2  }
0x1e: {  	s7 =	smul.u32 @!p0 $0xF7A, s2;
	p2 =	seq.s32 @!p0 s5, $0x0  }
0x1f: {  	s9 =	smul.u32 $0xF7A, s1;
	s8 =	simm.s32 @!p0 $0x1BF5;
	p2 =	por !p2, p0  }
0x20: {  	[sflag:s8] =	ssyncset.s32 @!p0 $0xFFFFF086;
	s6 =	sadd.s32 @!p0 s3, s7;
	s7 =	simm.s32 @!p0 $0x108  }
0x21: {  	s3 =	sadd.s32 s3, s9;
	s6 =	sadd.s32 @!p0 $0x88, s6;
	s7 =	simm.s32 @p2 $0x1082  }
0x22: {  	[simem:s7], [sflag:s8] =	dma.local @!p0 [hbm:s6], $0xF7A  }
0x23: {  	s9 =	sor.u32 $0xD0000000, s2;
	s6 =	simm.s32 $0x108;
	_ =	swait.ge @!p0 [sflag:s8], $0x0  }
0x24: {  	s3 =	sadd.s32 $0x88, s3;
	s6 =	simm.s32 @!p1 $0x1082;
	[sflag:s4] =	ssyncset.s32 $0xFFFFF086  }
0x25: {  	[simem:s6], [sflag:s4] =	dma.local [hbm:s3], $0xF7A  }
0x26: {  	[smem:$0x3F8D] =	sst s1;
	(tag) =	ssettag s2;
	_ =	strace s9  }
0x27: {  	s1 =	sld [smem:$0x3F9D]  }
0x28: {  	s2 =	sld [smem:$0x3F9E]  }
0x29: {  	s4 =	sld [smem:$0x3FA0]  }
0x2a: {  	p0 =	seq.s32 s5, $0x0;
	s5 =	sld [smem:$0x3FA1]  }
0x2b: {  	s6 =	sld [smem:$0x3FA2]  }
0x2c: {  	s7 =	sld [smem:$0x3FA3]  }
0x2d: {  	s3 =	simm.s32 $0x108;
	s8 =	sld [smem:$0x3FA4]  }
0x2e: {  	s3 =	simm.s32 @!p0 $0x1082;
	s9 =	sld [smem:$0x3FA5]  }
0x2f: {  	lr =	sadd.s32 s0, s3;
	s0 =	sld [smem:$0x3F9C]  }
0x30: {  	s3 =	sld [smem:$0x3F9F]  }
0x31: {  	[smem:$0x3FA8] =	sst s10  }
0x32: {  	s10 =	sld [smem:$0x3FA6];
	_ =	sdelay $0x3  }
0x33: {  	p0 =	seq.s32 s10, $0x1;
	s10 =	sld [smem:$0x3FA8];
	_ =	sdelay $0x3  }
0x34: {  	[smem:$0x3FA8] =	sst s10  }
0x35: {  	s10 =	sld [smem:$0x3FA7];
	_ =	sdelay $0x3  }
0x36: {  	p1 =	seq.s32 s10, $0x1;
	s10 =	sld [smem:$0x3FA8];
	_ =	sdelay $0x3  }
0x37: {  	[smem:$0x3FA8] =	sst s10  }
0x38: {  	s10 =	sld [smem:$0x3FA9]  }
0x39: {  	_ = 	snop;
	(pc) =	sbr.ind lr, $3  }
0x3a: {  	_ = 	snop  }
0x3b: {  	_ = 	snop  }
0x3c: {  	p2 =	seq.s32 s10, $0x1;
	s10 =	sld [smem:$0x3FA8]  }
0x3d: {  	_ =	shalt  }
0x3e: {  	_ =	shalt  }
0x3f: {  	_ =	shalt  }
0x40: {  	_ =	shalt  }
0x41: {  	_ =	shalt  }
0x42: {  	_ =	shalt  }
0x43: {  	_ =	shalt  }
0x44: {  	_ =	shalt  }
0x45: {  	_ =	shalt  }
0x46: {  	_ =	shalt  }
0x47: {  	_ =	shalt  }
0x48: {  	_ =	shalt  }
0x49: {  	_ =	shalt  }
0x4a: {  	_ =	shalt  }
0x4b: {  	_ =	shalt  }
0x4c: {  	_ =	shalt  }
0x4d: {  	_ =	shalt  }
0x4e: {  	_ =	shalt  }
0x4f: {  	_ =	shalt  }
0x50: {  	_ =	shalt  }
0x51: {  	_ =	shalt  }
0x52: {  	_ =	shalt  }
0x53: {  	_ =	shalt  }
0x54: {  	_ =	shalt  }
0x55: {  	_ =	shalt  }
0x56: {  	_ =	shalt  }
0x57: {  	_ =	shalt  }
0x58: {  	_ =	shalt  }
0x59: {  	_ =	shalt  }
0x5a: {  	_ =	shalt  }
0x5b: {  	_ =	shalt  }
0x5c: {  	_ =	shalt  }
0x5d: {  	_ =	shalt  }
0x5e: {  	_ =	shalt  }
0x5f: {  	_ =	shalt  }
0x60: {  	_ =	shalt  }
0x61: {  	_ =	shalt  }
0x62: {  	_ =	shalt  }
0x63: {  	_ =	shalt  }
0x64: {  	_ =	shalt  }
0x65: {  	_ =	shalt  }
0x66: {  	_ =	shalt  }
0x67: {  	_ =	shalt  }
0x68: {  	_ =	shalt  }
0x69: {  	_ =	shalt  }
0x6a: {  	_ =	shalt  }
0x6b: {  	_ =	shalt  }
0x6c: {  	_ =	shalt  }
0x6d: {  	_ =	shalt  }
0x6e: {  	_ =	shalt  }
0x6f: {  	_ =	shalt  }
0x70: {  	_ =	shalt  }
0x71: {  	_ =	shalt  }
0x72: {  	_ =	shalt  }
0x73: {  	_ =	shalt  }
0x74: {  	_ =	shalt  }
0x75: {  	_ =	shalt  }
0x76: {  	_ =	shalt  }
0x77: {  	_ =	shalt  }
0x78: {  	_ =	shalt  }
0x79: {  	_ =	shalt  }
0x7a: {  	_ =	shalt  }
0x7b: {  	_ =	shalt  }
0x7c: {  	_ =	shalt  }
0x7d: {  	_ =	shalt  }
0x7e: {  	_ =	shalt  }
0x7f: {  	_ =	shalt  }
0x80: {  	_ =	shalt  }
0x81: {  	_ =	shalt  }
0x82: {  	_ =	shalt  }
0x83: {  	_ =	shalt  }
0x84: {  	_ =	shalt  }
0x85: {  	_ =	shalt  }
0x86: {  	_ =	shalt  }
0x87: {  	_ =	shalt  }
.Lfunc_end0:
.L_simem_size_0:
called_computation.3_lowered:
.L_overlay_start_0:
0x88: {  	s2 =	sld [smem:$0x3FD9]  }
0x89: {  	s3 =	sld [smem:$0x3FFE];
	_ =	sdelay $0x1  }
0x8a: {  	s1 =	srdreg.scid  }
0x8b: {  	s0 =	sand.u32 $0x1, s1  }
0x8c: {  	s17 =	sshll.u32 s0, $0xA;
	s2 =	sadd.s32 s3, s2  }
0x8d: {  	s2 =	sadd.s32 s2, s17  }
0x8e: {  	[smem:$0x3FB4] =	sst s2  }
0x8f: {  	_ = 	snop  }
0x90: {  	s2 =	sld [smem:$0x3FD0];
	(tm) =	ssettm $0x1  }
0x91: {  	s18 =	sld [smem:$0x3FFB];
	_ =	sdelay $0x3  }
0x92: {  	_ =	strace s18  }
0x93: {  	s3 =	sld [smem:$0x3FFC];
	_ =	sdelay $0x3  }
0x94: {  	_ =	strace s3  }
0x95: {  	s3 =	sld [smem:$0x3FFD];
	_ =	sdelay $0x3  }
0x96: {  	_ =	strace s3  }
0x97: {  	_ =	strace $0x8FFFFFFF  }
0x98: {  	s19 =	sld [smem:$0x3FDB];
	_ =	sdelay $0x1  }
0x99: {  	s4 =	simm.s32 $_scs_section_size  }
0x9a: {  	s5 =	simm.s32 $_size__tile_overlayer_lowered;
	s6 =	simm.s32 $_tile_overlayer_lowered  }
0x9b: {  	s22 =	simm.s32 $0x1BFF;
	s21 =	sshll.u32 s6, $0x1;
	s3 =	sadd.s32 s4, s19  }
0x9c: {  	s7 =	simm.s32 $0x0;
	s20 =	sshll.u32 s5, $0x1;
	s5 =	sadd.s32 s21, s3  }
0x9d: {  	[timem:s7], [sflag:s22] =	dma.local [hbm:s5], s20  }
0x9e: {  	_ =	swait.ge [sflag:s22], s20  }
0x9f: {  	s4 =	ssub.s32 $0x0, s20;
	[sflag:s22] =	ssyncset.done $0x0  }
0xa0: {  	[sflag:s22] =	ssyncadd.s32 s4;
	_ =	sdelay $0x1  }
0xa1: {  	s23 =	simm.s32 $0x1B8B  }
0xa2: {  	_ =	swait.ge [sflag:s23], $0x1  }
0xa3: {  	[sflag:s23] =	ssyncset.done $0x0  }
0xa4: {  	s25 =	simm.s32 $0x1B8E;
	s24 =	sld [smem:$0x3FFE];
	[sflag:s23] =	ssyncadd.s32 $0xFFFFFFFF  }
0xa5: {  	s26 =	simm.s32 $execute0_lowered;
	[smem:$0x3FD2] =	sst s25  }
0xa6: {  	s5 =	sshll.u32 s26, $0x1;
	_ =	strace $0x8000004F;
	[dreg:$0x1] =	wrdreg $0xFFFFFFFF  }
0xa7: {  	s28 =	simm.s32 $_size_execute0_lowered;
	s3 =	sadd.s32 s3, s5;
	[dreg:$0x0] =	wrdreg $0x0  }
0xa8: {  	s5 =	sshll.u32 s28, $0x1;
	[dreg:$0x2] =	wrdreg s3  }
0xa9: {  	[dreg:$0x3] =	wrdreg s5  }
0xaa: {  	[dreg:$0x4] =	wrdreg $0xC0  }
0xab: {  	_ =	task [dreg:s7], $0x5FFFF  }
0xac: {  	[dreg:$0x1] =	wrdreg $0xFFFFFFFF  }
0xad: {  	[dreg:$0x0] =	wrdreg $0x60  }
0xae: {  	[dreg:$0x2] =	wrdreg s2  }
0xaf: {  	[dreg:$0x3] =	wrdreg s24  }
0xb0: {  	[dreg:$0x4] =	wrdreg $0x90000  }
0xb1: {  	[dreg:$0x5] =	wrdreg $0x9  }
0xb2: {  	_ =	task.clear_ibuf [dreg:s7], $0x6FFFF;
	_ =	strace $0x9000004F  }
0xb3: {  	s29 =	simm.s32 $0x9;
	_ =	strace $0x80000051  }
0xb4: {  	_ =	swait.ge [sflag:s29], $0x1  }
0xb5: {  	[sflag:s29] =	ssyncadd.s32 $0xFFFFFFFF  }
0xb6: {  	_ =	strace $0x90000051  }
0xb7: {  	_ =	sfence  }
0xb8: {  	s30 =	sld [smem:$0x0];
	_ =	sdelay $0x2  }
0xb9: {  	s31 =	sshll.u32 s1, $0xD;
	s1 =	sshrl.u32 s1, $0x2  }
0xba: {  	s3 =	sand.u32 $0x4000, s31;
	s1 =	sadd.s32 s1, s30  }
0xbb: {  	s0 =	sor.u32 s3, s0;
	s1 =	sshll.u32 s1, $0x11  }
0xbc: {  	s0 =	sor.u32 s1, s0  }
0xbd: {  	s0 =	sadd.s32 $0x8F2B, s0  }
0xbe: {  	[sflag:s0] =	ssyncadd.remote.s32 $0x1  }
0xbf: {  	_ =	sfence.sel $0xFFFF  }
0xc0: {  	[dreg:$0x0] =	wrdreg $0xFFFFFFFF;
	(pc) =	sbr.abs _section_cstart, $3  }
0xc1: {  	[dreg:$0x1] =	wrdreg $0xFFFFFFFF  }
0xc2: {  	_ =	task.clear_ibuf [dreg:s7], $0x2FFFF;
	_ =	strace $0x9FFFFFFF  }
0xc3: {  	(tm) =	ssettm $0x7FFFFFFF  }
tec
execute0_lowered:
.L_overlay_start_1:
0x0: {  	(tag) =	ssettag $0x1  }
0x1: {  	s1 =	rddreg [dreg:$0x0]  }
0x2: {  	s5 =	rddreg [dreg:$0x1]  }
0x3: {  	s2 =	rddreg [dreg:$0x2]  }
0x4: {  	s3 =	srdreg.scid;
	s0 =	rddreg [dreg:$0x3];
	s4 =	simm.s32 $0x0  }
0x5: {  	s14 =	simm.s32 $0x2;
	s15 =	simm.s32 $0x2800;
	s16 =	simm.s32 $0x5000  }
0x6: {  	s17 =	simm.s32 $0x80;
	s18 =	simm.s32 $0x1;
	s6 =	sand.u32 $0x1, s3  }
0x7: {  	s21 =	simm.s32 $0x0;
	s3 =	stileid.u32;
	s8 =	smul.u32 $0x140000, s6  }
0x8: {  	[smem:$0x7FF] =	sst s4;
	s7 =	sshll.u32 s6, $0x4;
	s9 =	smul.u32 $0x14000, s3  }
0x9: {  	_ =	strace $0x80000050;
	s6 =	ssub.s32 $0x2, s6;
	s30 =	smul.u32 $0x50000, s3  }
0xa: {  	s19 =	sshll.u32 s3, $0x6;
	s7 =	sor.u32 s3, s7;
	s10 =	sshrl.u32 s6, $0x1  }
0xb: {  	s19 =	sor.u32 $0x1C02, s19;
	s7 =	smul.u32 $0x500, s7;
	s8 =	sadd.s32 s9, s8  }
0xc: {  	s13 =	ssub.s32 s6, s10;
	s31 =	sshrl.u32 s30, $0x2;
	s8 =	sshrl.u32 s8, $0x3  }
0xd: {  	s13 =	smax.u32 s13, $0x1;
	s7 =	sadd.s32 s7, s5;
	s12 =	sadd.s32 s8, s5  }
0xe: {  	s5 =	sadd.s32 $0xE000, s7;
	s6 =	sadd.s32 $0x4000, s7;
	s7 =	sadd.s32 s31, s2  }
0xf: {  	s12 =	sadd.s32 $0x18000, s12;
	s8 =	sadd.s32 $0x4000, s7;
	s9 =	sadd.s32 $0x8000, s7  }
0x10: {  	v0 =	vimm.f32 $0.0e+00;
	s10 =	sadd.s32 $0xC000, s7;
	s11 =	sadd.s32 $0x10000, s7;
	s20 =	sshrl.u32 s7, $0x3  }
.LBB2_1:
0x11: {  	[tilespmem:s4], [sflag:$0x2] =	stream.linear.gather [hbm4b:s5+s4], $0x2780, $0x38;
	[tilespmem:$0x1D000] =	vst v63  }
0x12: {  	_ =	swait.ge [sflag:s14], $0x2780  }
0x13: {  	[sflag:s14] =	ssyncset.done $0x0  }
0x14: {  	[sflag:s14] =	ssyncadd.s32 $0xFFFFD880  }
0x15: {  	[tilespmem:s15], [sflag:$0x2] =	stream.linear.gather [hbm4b:s6+s4], $0x2780, $0x38;
	[tilespmem:$0x1D000] =	vst v63  }
0x16: {  	_ =	swait.ge [sflag:s14], $0x2780  }
0x17: {  	[sflag:s14] =	ssyncset.done $0x0  }
0x18: {  	s22 =	simm.s32 $0x0;
	s23 =	simm.s32 $0x200;
	[sflag:s14] =	ssyncadd.s32 $0xFFFFD880  }
.LBB2_2:
0x19: {  	p0 =	sne.s32 s23, $0xFE00;
	[tilespmem:s22+$0x5070] =	vst v0  }
0x1a: {  	[tilespmem:s22+$0x5000] =	vst v0  }
0x1b: {  	[tilespmem:s22+$0x5010] =	vst v0  }
.Ltmp0:
0x1c: {  	[tilespmem:s22+$0x5020] =	vst v0;
	(pc) =	sbr.rel @p0 .LBB2_2-.Ltmp0, $4  }
0x1d: {  	[tilespmem:s22+$0x5030] =	vst v0  }
0x1e: {  	[tilespmem:s22+$0x5040] =	vst v0  }
0x1f: {  	[tilespmem:s22+$0x5050] =	vst v0  }
0x20: {  	[tilespmem:s22+$0x5060] =	vst v0;
	s22 =	sshra.s32 s23, $0x2;
	s23 =	sadd.s32 $0x200, s23  }
0x21: {  	[tilespmem:s22+$0x5070] =	vst v0  }
0x22: {  	[tilespmem:s22+$0x5000] =	vst v0  }
0x23: {  	[tilespmem:s22+$0x5010] =	vst v0  }
0x24: {  	[tilespmem:s22+$0x5020] =	vst v0  }
0x25: {  	[tilespmem:s22+$0x5030] =	vst v0  }
0x26: {  	[tilespmem:s22+$0x5040] =	vst v0  }
0x27: {  	[tilespmem:s22+$0x5050] =	vst v0  }
0x28: {  	[tilespmem:s22+$0x5060] =	vst v0  }
0x29: {  	[spmem:s7] =	stream.linear.scatter [tilespmem:s16], [sflag:$0x2], $0x4000, $0x38;
	[tilespmem:$0x1D000] =	vst v63  }
0x2a: {  	_ =	swait.ge [sflag:s14], $0x4000  }
0x2b: {  	[sflag:s14] =	ssyncset.done $0x0  }
0x2c: {  	[sflag:s14] =	ssyncadd.s32 $0xFFFFC000  }
0x2d: {  	[spmem:s8] =	stream.linear.scatter [tilespmem:s16], [sflag:$0x2], $0x4000, $0x38;
	[tilespmem:$0x1D000] =	vst v63  }
0x2e: {  	_ =	swait.ge [sflag:s14], $0x4000  }
0x2f: {  	[sflag:s14] =	ssyncset.done $0x0  }
0x30: {  	[sflag:s14] =	ssyncadd.s32 $0xFFFFC000  }
0x31: {  	[spmem:s9] =	stream.linear.scatter [tilespmem:s16], [sflag:$0x2], $0x4000, $0x38;
	[tilespmem:$0x1D000] =	vst v63  }
0x32: {  	_ =	swait.ge [sflag:s14], $0x4000  }
0x33: {  	[sflag:s14] =	ssyncset.done $0x0  }
0x34: {  	[sflag:s14] =	ssyncadd.s32 $0xFFFFC000  }
0x35: {  	[spmem:s10] =	stream.linear.scatter [tilespmem:s16], [sflag:$0x2], $0x4000, $0x38;
	[tilespmem:$0x1D000] =	vst v63  }
0x36: {  	_ =	swait.ge [sflag:s14], $0x4000  }
0x37: {  	[sflag:s14] =	ssyncset.done $0x0  }
0x38: {  	[sflag:s14] =	ssyncadd.s32 $0xFFFFC000  }
0x39: {  	[spmem:s11] =	stream.linear.scatter [tilespmem:s16], [sflag:$0x2], $0x4000, $0x38;
	[tilespmem:$0x1D000] =	vst v63  }
0x3a: {  	_ =	swait.ge [sflag:s14], $0x4000  }
0x3b: {  	[sflag:s14] =	ssyncset.done $0x0  }
0x3c: {  	[sflag:s14] =	ssyncadd.s32 $0xFFFFC000  }
0x3d: {  	s30 =	simm.s32 $0x0;
	[bflag:$0x0] =	sbarrier.arrive $0xFFFF  }
0x3e: {  	[tilespmem:s16], [sflag:$0x1] =	stream.indirect.gather [hbm4b:s1+s17], $0x80, s30, s17, $0xb8;
	[tilespmem:$0x1D000] =	vst v63  }
0x3f: {  	_ =	swait.ge [sflag:s18], $0x4000  }
0x40: {  	[sflag:s18] =	ssyncset.done $0x0  }
0x41: {  	s31 =	simm.s32 $0x2800;
	[sflag:s18] =	ssyncadd.s32 $0xFFFFC000  }
0x42: {  	[spmem:s2] =	stream.indirect.scatter.add.f32 [tilespmem:s16], [sflag:$0x2], $0x80, s31, s17, $0xb8;
	[tilespmem:$0x1D000] =	vst v63  }
0x43: {  	_ =	swait.ge [sflag:s14], $0x4000  }
0x44: {  	s22 =	simm.s32 $0x200;
	s23 =	simm.s32 $0x400;
	[sflag:s14] =	ssyncset.done $0x0  }
.LBB2_4:
0x45: {  	s24 =	sshra.s32 s22, $0x2  }
0x46: {  	[sflag:s14] =	ssyncadd.s32 $0xFFFFC000;
	s22 =	smov.u32 s23;
	s25 =	sadd.s32 $0x200, s23  }
0x47: {  	[tilespmem:s16], [sflag:$0x1] =	stream.indirect.gather [hbm4b:s1+s17], $0x80, s24, s17, $0xb8;
	[tilespmem:$0x1D000] =	vst v63  }
0x48: {  	p0 =	sne.s32 s23, $0x9C00;
	_ =	swait.ge [sflag:s18], $0x4000  }
.Ltmp1:
0x49: {  	[sflag:s18] =	ssyncset.done $0x0;
	(pc) =	sbr.rel @p0 .LBB2_4-.Ltmp1, $4  }
0x4a: {  	s23 =	sadd.s32 $0x2800, s24;
	[sflag:s18] =	ssyncadd.s32 $0xFFFFC000  }
0x4b: {  	[spmem:s2] =	stream.indirect.scatter.add.f32 [tilespmem:s16], [sflag:$0x2], $0x80, s23, s17, $0xb8;
	[tilespmem:$0x1D000] =	vst v63  }
0x4c: {  	_ =	swait.ge [sflag:s14], $0x4000  }
0x4d: {  	s23 =	smov.u32 s25;
	[sflag:s14] =	ssyncset.done $0x0  }
0x4e: {  	s22 =	sshra.s32 s22, $0x2;
	[sflag:s14] =	ssyncadd.s32 $0xFFFFC000  }
0x4f: {  	[tilespmem:s16], [sflag:$0x1] =	stream.indirect.gather [hbm4b:s1+s17], $0x80, s22, s17, $0xb8;
	[tilespmem:$0x1D000] =	vst v63  }
0x50: {  	_ =	swait.ge [sflag:s18], $0x4000  }
0x51: {  	[sflag:s18] =	ssyncset.done $0x0  }
0x52: {  	s22 =	sadd.s32 $0x2800, s22;
	[sflag:s18] =	ssyncadd.s32 $0xFFFFC000  }
0x53: {  	[spmem:s2] =	stream.indirect.scatter.add.f32 [tilespmem:s16], [sflag:$0x2], $0x80, s22, s17, $0xb8;
	[tilespmem:$0x1D000] =	vst v63  }
0x54: {  	_ =	swait.ge [sflag:s14], $0x4000  }
0x55: {  	s21 =	sadd.s32 $0x1, s21;
	[sflag:s14] =	ssyncset.done $0x0  }
0x56: {  	p0 =	sne.s32 s21, s13;
	[sflag:s14] =	ssyncadd.s32 $0xFFFFC000  }
.Ltmp2:
0x57: {  	[bflag:$0x0] =	sbarrier.arrive $0xFFFF;
	(pc) =	sbr.rel @p0 .LBB2_1-.Ltmp2, $4  }
0x58: {  	[hbm:s12], [sflag:s19] =	dma.local [spmem:s20], $0x2800  }
0x59: {  	_ =	swait.ge [sflag:s14], $0x2800  }
0x5a: {  	[sflag:s14] =	ssyncset.done $0x0  }
0x5b: {  	[sflag:s14] =	ssyncadd.s32 $0xFFFFD800  }
0x5c: {  	_ =	sfence.sel $0x180000  }
0x5d: {  	[bflag:$0x0] =	sbarrier.arrive $0xFFFF  }
0x5e: {  	p0 =	sne.s32 s3, $0x0;
	_ =	strace $0x90000050  }
0x5f: {  	s0 =	sadd.s32 @!p0 $0x100000, s0;
	[bflag:$0x2] =	sbarrier.arrive $0xFFFF  }
0x60: {  	[sflag:s0] =	ssyncadd.tile.s32 @!p0 $0x1;
	_ =	shalt  }
.Lfunc_end2:
_tile_overlayer_lowered:
.L_overlay_start_2:
0x61: {  	(tag) =	ssettag $0x2  }
0x62: {  	s0 =	rddreg [dreg:$0x0];
	s2 =	stileid.u32  }
0x63: {  	s1 =	rddreg [dreg:$0x1];
	p0 =	sne.s32 s2, $0x0  }
0x64: {  	s3 =	rddreg [dreg:$0x2];
	[bflag:$0x3] =	sbarrier.arrive $0xFFFF;
	s2 =	simm.s32 @!p0 $0x1C02  }
0x65: {  	[timem:s3], [sflag:s2] =	dma.local @!p0 [hbm:s0], s1  }
0x66: {  	s0 =	simm.s32 @!p0 $0x2  }
0x67: {  	_ =	swait.ge @!p0 [sflag:s0], s1  }
0x68: {  	s1 =	ssub.s32 @!p0 $0x0, s1;
	[sflag:s0] =	ssyncset.done @!p0 $0x0  }
0x69: {  	[sflag:s0] =	ssyncadd.s32 @!p0 s1  }
0x6a: {  	[bflag:$0x3] =	sbarrier.arrive $0xFFFF  }
0x6b: {  	_ =	shalt  }

</sc_bundles>
